<compile_context>
chip_gen: v7x
topology: tpu7x:2x2x1
jax: 0.10.2.dev20260603
libtpu: 0.0.44.dev20260713+nightly
codegen_flags: <defaults>
</compile_context>

<pallas_src>
import functools

import jax
import jax.numpy as jnp
from jax import lax
from jax.experimental import pallas as pl
from jax.experimental.pallas import tpu as pltpu
from jax.experimental.pallas import tpu_sc as plsc

MAX_LEN = 8192
D = 1024
B_TOTAL = 4 * 8192

_info = plsc.get_sparse_core_info()
NC = _info.num_cores
NS = _info.num_subcores
NW = NC * NS
B_PER_W = B_TOTAL // NW
CH = 32
N_CHUNKS = B_PER_W // CH
NB = 3
K = 2
N_MAIN = (N_CHUNKS // NB) * NB


@jax.jit
def _gather_rows(table, idx3):
  mesh = plsc.VectorSubcoreMesh(core_axis_name="c", subcore_axis_name="s")

  @functools.partial(
      pl.kernel,
      mesh=mesh,
      out_type=jax.ShapeDtypeStruct((B_TOTAL, D), jnp.float32),
      scratch_types=[
          pltpu.VMEM((N_CHUNKS, CH), jnp.int32),
          pltpu.VMEM((NB, CH, D), jnp.float32),
          pltpu.SemaphoreType.DMA((NB,)),
          pltpu.SemaphoreType.DMA((NB,)),
      ],
  )
  def k(table_hbm, idx_hbm, out_hbm, idx_v, rows_v, gsem, ssem):
    wid = lax.axis_index("s") * NC + lax.axis_index("c")
    base = wid * B_PER_W
    pltpu.sync_copy(idx_hbm.at[wid], idx_v)

    def start_gather(c, b):
      pltpu.async_copy(table_hbm.at[idx_v.at[c]], rows_v.at[b], gsem.at[b])

    def wait_gather(c, b):
      pltpu.make_async_copy(
          table_hbm.at[idx_v.at[c]], rows_v.at[b], gsem.at[b]).wait()

    def start_scatter(c, b):
      pltpu.async_copy(
          rows_v.at[b], out_hbm.at[pl.ds(base + c * CH, CH)], ssem.at[b])

    def wait_scatter(c, b):
      pltpu.make_async_copy(
          rows_v.at[b], out_hbm.at[pl.ds(base + c * CH, CH)], ssem.at[b]).wait()

    def step(c, b, static):
      bk = (b + K) % NB
      if static:
        if c >= NB - K:
          wait_scatter(c - (NB - K), bk)
        if c + K < N_CHUNKS:
          start_gather(c + K, bk)
      else:
        @pl.when(c >= NB - K)
        def _():
          wait_scatter(c - (NB - K), bk)
        @pl.when(c + K < N_CHUNKS)
        def _():
          start_gather(c + K, bk)
      wait_gather(c, b)
      start_scatter(c, b)

    for b in range(K):
      start_gather(b, b)

    def outer(i, carry):
      g = i * NB
      for b in range(NB):
        step(g + b, b, static=False)
      return carry

    lax.fori_loop(0, N_MAIN // NB, outer, 0, unroll=False)

    for c in range(N_MAIN, N_CHUNKS):
      step(c, c % NB, static=True)

    for c in range(N_CHUNKS - (NB - K), N_CHUNKS):
      wait_scatter(c, c % NB)

  return k(table, idx3)


def kernel(inputs, positions, position_embeddings):
  idx3 = positions.reshape(NW, N_CHUNKS, CH).astype(jnp.int32)
  out = _gather_rows(position_embeddings, idx3)
  return out.reshape(inputs.shape)

# --- scband reference (transcript-rebuilt; emitter-appended) ---
"""Pipeline reference for scband-position-embeddings-layer-31705448579735 (READ-ONLY COPY).

The authoritative reference and input builder live on the scoring server;
editing this copy changes nothing except your own understanding.
"""

import jax, jax.numpy as jnp
import numpy as np

MAX_LEN = 8192
D = 1024

def _fourier_positional_embeddings(max_len, d):
    input_positions = np.arange(max_len).reshape((-1, 1))
    embedding_positions = np.arange(d).reshape((1, -1))
    relative = 2.0 * (embedding_positions // 2) / d
    angles = input_positions / np.power(10000, relative)
    pe = np.zeros(angles.shape)
    pe[:, 0::2] = np.sin(angles[:, 0::2])
    pe[:, 1::2] = np.cos(angles[:, 1::2])
    return jnp.asarray(pe, dtype=jnp.float32)

def setup_inputs(seed: int = 0):
    key = jax.random.key(seed)
    k1, k2 = jax.random.split(key)
    inputs = jax.random.normal(k1, (4, 8192, D), dtype=jnp.float32)
    positions = jax.random.randint(k2, (4, 8192), 0, MAX_LEN)
    position_embeddings = _fourier_positional_embeddings(MAX_LEN, D)
    return {"inputs": inputs, "positions": positions, "position_embeddings": position_embeddings}

def reference(inputs, positions, position_embeddings):
    # positions provided -> tf.gather(position_embeddings, positions)
    chosen_embeddings = jnp.take(position_embeddings, positions, axis=0)
    # tf.broadcast_to(chosen_embeddings, tf.shape(inputs))
    return jnp.broadcast_to(chosen_embeddings, inputs.shape)

if __name__ == "__main__":
    import jax
    _d = setup_inputs()
    print(jax.jit(kernel)(*tuple(_d.values())))

</pallas_src>

<mosaic_0001>
#map = affine_map<(d0, d1) -> (0, 0)>
#map1 = affine_map<(d0, d1) -> (0, 0, 0)>
module attributes {stable_mosaic.version = 14 : i64} {
  func.func @k(%arg0: i32, %arg1: i32, %arg2: memref<8192x1024xf32, #tpu.memory_space<hbm>>, %arg3: memref<32x32x32xi32, #tpu.memory_space<hbm>>, %arg4: memref<32768x1024xf32, #tpu.memory_space<hbm>>, %arg5: memref<32x32xi32, #tpu.memory_space<vmem>>, %arg6: memref<3x32x1024xf32, #tpu.memory_space<vmem>>, %arg7: memref<3x!tpu.dma_semaphore, #tpu.memory_space<semaphore_mem>>, %arg8: memref<3x!tpu.dma_semaphore, #tpu.memory_space<semaphore_mem>>) attributes {dimension_semantics = [#tpu.dimension_semantics<core_parallel>, #tpu.dimension_semantics<subcore_parallel>], iteration_bounds = array<i64: 2, 16>, scalar_prefetch = 0 : i64, scratch_operands = 4 : i64, tpu.core_type = #tpu.core_type<sc_vector_subcore>, window_params = [{transform_indices = #map}, {transform_indices = #map1}, {transform_indices = #map}]} {
    %mul3A = arith.constant 2 : i32
    %mul3A_0 = arith.muli %arg1, %mul3A : i32
    %add3A = arith.addi %mul3A_0, %arg0 : i32
    %mul3A_1 = arith.constant 1024 : i32
    %mul3A_2 = arith.muli %add3A, %mul3A_1 : i32
    "tpu.region"() ({
      %run_scoped3A = tpu.sem_alloc : memref<!tpu.dma_semaphore, #tpu.memory_space<semaphore_mem>>
      %dma_start3A_156 = arith.constant 0 : i32
      %dma_start3A_157 = arith.constant 0 : i32
      %dma_start3A_158 = tpu.memref_slice %arg3[%add3A, %dma_start3A_156, %dma_start3A_157] : memref<32x32x32xi32, #tpu.memory_space<hbm>> -> memref<1x32x32xi32, #tpu.memory_space<hbm>>
      %dma_start3A_159 = tpu.memref_squeeze %dma_start3A_158 : memref<1x32x32xi32, #tpu.memory_space<hbm>> -> memref<32x32xi32, #tpu.memory_space<hbm>>
      %dma_start3A_160 = arith.constant 0 : i32
      %dma_start3A_161 = arith.constant 0 : i32
      %dma_start3A_162 = tpu.memref_slice %arg3[%add3A, %dma_start3A_160, %dma_start3A_161] : memref<32x32x32xi32, #tpu.memory_space<hbm>> -> memref<1x32x32xi32, #tpu.memory_space<hbm>>
      %dma_start3A_163 = tpu.memref_squeeze %dma_start3A_162 : memref<1x32x32xi32, #tpu.memory_space<hbm>> -> memref<32x32xi32, #tpu.memory_space<hbm>>
      tpu.enqueue_dma source(%dma_start3A_163 : memref<32x32xi32, #tpu.memory_space<hbm>>) target(%arg5 : memref<32x32xi32, #tpu.memory_space<vmem>>) target_semaphore(%run_scoped3A : memref<!tpu.dma_semaphore, #tpu.memory_space<semaphore_mem>>)
      %dma_wait3A_164 = arith.constant 0 : i32
      %dma_wait3A_165 = arith.constant 0 : i32
      %dma_wait3A_166 = tpu.memref_slice %arg3[%add3A, %dma_wait3A_164, %dma_wait3A_165] : memref<32x32x32xi32, #tpu.memory_space<hbm>> -> memref<1x32x32xi32, #tpu.memory_space<hbm>>
      %dma_wait3A_167 = tpu.memref_squeeze %dma_wait3A_166 : memref<1x32x32xi32, #tpu.memory_space<hbm>> -> memref<32x32xi32, #tpu.memory_space<hbm>>
      %dma_wait3A_168 = arith.constant 0 : i32
      %dma_wait3A_169 = arith.constant 0 : i32
      %dma_wait3A_170 = tpu.memref_slice %arg3[%add3A, %dma_wait3A_168, %dma_wait3A_169] : memref<32x32x32xi32, #tpu.memory_space<hbm>> -> memref<1x32x32xi32, #tpu.memory_space<hbm>>
      %dma_wait3A_171 = tpu.memref_squeeze %dma_wait3A_170 : memref<1x32x32xi32, #tpu.memory_space<hbm>> -> memref<32x32xi32, #tpu.memory_space<hbm>>
      tpu.wait_dma2 semaphore(%run_scoped3A : memref<!tpu.dma_semaphore, #tpu.memory_space<semaphore_mem>>) src(%dma_wait3A_171 : memref<32x32xi32, #tpu.memory_space<hbm>>) dst(%arg5 : memref<32x32xi32, #tpu.memory_space<vmem>>)
      tpu.yield
    }) : () -> ()
    %dma_start3A = arith.constant 0 : i32
    %dma_start3A_3 = arith.constant 0 : i32
    %dma_start3A_4 = arith.constant 0 : i32
    %dma_start3A_5 = arith.constant 0 : i32
    %dma_start3A_6 = arith.constant 0 : i32
    %dma_start3A_7 = tpu.memref_slice %arg6[%dma_start3A_3, %dma_start3A_5, %dma_start3A_6] : memref<3x32x1024xf32, #tpu.memory_space<vmem>> -> memref<1x32x1024xf32, #tpu.memory_space<vmem>>
    %dma_start3A_8 = tpu.memref_squeeze %dma_start3A_7 : memref<1x32x1024xf32, #tpu.memory_space<vmem>> -> memref<32x1024xf32, #tpu.memory_space<vmem>>
    %dma_start3A_9 = arith.constant 0 : i32
    %dma_start3A_10 = tpu.memref_slice %arg5[%dma_start3A, %dma_start3A_9] : memref<32x32xi32, #tpu.memory_space<vmem>> -> memref<1x32xi32, #tpu.memory_space<vmem>>
    %dma_start3A_11 = tpu.memref_squeeze %dma_start3A_10 : memref<1x32xi32, #tpu.memory_space<vmem>> -> memref<32xi32, #tpu.memory_space<vmem>>
    %dma_start3A_12 = arith.constant 0 : i32
    %dma_start3A_13 = arith.constant 0 : i32
    %dma_start3A_14 = tpu.memref_slice %arg2[%dma_start3A_12, %dma_start3A_13] : memref<8192x1024xf32, #tpu.memory_space<hbm>> -> memref<8192x1024xf32, #tpu.memory_space<hbm>>
    %dma_start3A_15 = tpu.memref_slice %arg7[%dma_start3A_4] : memref<3x!tpu.dma_semaphore, #tpu.memory_space<semaphore_mem>> -> memref<1x!tpu.dma_semaphore, #tpu.memory_space<semaphore_mem>>
    %dma_start3A_16 = tpu.memref_squeeze %dma_start3A_15 : memref<1x!tpu.dma_semaphore, #tpu.memory_space<semaphore_mem>> -> memref<!tpu.dma_semaphore, #tpu.memory_space<semaphore_mem>>
    tpu.enqueue_indirect_dma source(%dma_start3A_14 : memref<8192x1024xf32, #tpu.memory_space<hbm>>) target(%dma_start3A_8 : memref<32x1024xf32, #tpu.memory_space<vmem>>) offsets(%dma_start3A_11 : memref<32xi32, #tpu.memory_space<vmem>>) semaphore(%dma_start3A_16 : memref<!tpu.dma_semaphore, #tpu.memory_space<semaphore_mem>>)
    %dma_start3A_17 = arith.constant 1 : i32
    %dma_start3A_18 = arith.constant 1 : i32
    %dma_start3A_19 = arith.constant 1 : i32
    %dma_start3A_20 = arith.constant 0 : i32
    %dma_start3A_21 = arith.constant 0 : i32
    %dma_start3A_22 = tpu.memref_slice %arg6[%dma_start3A_18, %dma_start3A_20, %dma_start3A_21] : memref<3x32x1024xf32, #tpu.memory_space<vmem>> -> memref<1x32x1024xf32, #tpu.memory_space<vmem>>
    %dma_start3A_23 = tpu.memref_squeeze %dma_start3A_22 : memref<1x32x1024xf32, #tpu.memory_space<vmem>> -> memref<32x1024xf32, #tpu.memory_space<vmem>>
    %dma_start3A_24 = arith.constant 0 : i32
    %dma_start3A_25 = tpu.memref_slice %arg5[%dma_start3A_17, %dma_start3A_24] : memref<32x32xi32, #tpu.memory_space<vmem>> -> memref<1x32xi32, #tpu.memory_space<vmem>>
    %dma_start3A_26 = tpu.memref_squeeze %dma_start3A_25 : memref<1x32xi32, #tpu.memory_space<vmem>> -> memref<32xi32, #tpu.memory_space<vmem>>
    %dma_start3A_27 = arith.constant 0 : i32
    %dma_start3A_28 = arith.constant 0 : i32
    %dma_start3A_29 = tpu.memref_slice %arg2[%dma_start3A_27, %dma_start3A_28] : memref<8192x1024xf32, #tpu.memory_space<hbm>> -> memref<8192x1024xf32, #tpu.memory_space<hbm>>
    %dma_start3A_30 = tpu.memref_slice %arg7[%dma_start3A_19] : memref<3x!tpu.dma_semaphore, #tpu.memory_space<semaphore_mem>> -> memref<1x!tpu.dma_semaphore, #tpu.memory_space<semaphore_mem>>
    %dma_start3A_31 = tpu.memref_squeeze %dma_start3A_30 : memref<1x!tpu.dma_semaphore, #tpu.memory_space<semaphore_mem>> -> memref<!tpu.dma_semaphore, #tpu.memory_space<semaphore_mem>>
    tpu.enqueue_indirect_dma source(%dma_start3A_29 : memref<8192x1024xf32, #tpu.memory_space<hbm>>) target(%dma_start3A_23 : memref<32x1024xf32, #tpu.memory_space<vmem>>) offsets(%dma_start3A_26 : memref<32xi32, #tpu.memory_space<vmem>>) semaphore(%dma_start3A_31 : memref<!tpu.dma_semaphore, #tpu.memory_space<semaphore_mem>>)
    %scan3A = arith.constant 0 : i32
    %scan3A_32 = arith.constant 0 : i32
    %scan3A_33 = arith.constant 10 : i32
    %scan3A_34 = arith.addi %scan3A_32, %scan3A_33 : i32
    %scan3A_35 = arith.constant 1 : i32
    scf.for %scan3A_156 = %scan3A_32 to %scan3A_34 step %scan3A_35  : i32 {
      %mul3A_157 = arith.constant 3 : i32
      %mul3A_158 = arith.muli %scan3A_156, %mul3A_157 : i32
      %add3A_159 = arith.constant 0 : i32
      %add3A_160 = arith.addi %mul3A_158, %add3A_159 : i32
      %ge3A = arith.constant 1 : i32
      %ge3A_161 = arith.cmpi sge, %add3A_160, %ge3A : i32
      %convert_element_type3A = arith.extui %ge3A_161 : i1 to i32
      %cond3A = arith.constant 0 : i32
      %cond3A_162 = arith.cmpi ne, %convert_element_type3A, %cond3A : i32
      scf.if %cond3A_162 {
        %sub3A = arith.constant 1 : i32
        %sub3A_296 = arith.subi %add3A_160, %sub3A : i32
        %mul3A_297 = arith.constant 32 : i32
        %mul3A_298 = arith.muli %sub3A_296, %mul3A_297 : i32
        %add3A_299 = arith.addi %mul3A_2, %mul3A_298 : i32
        %dma_wait3A_300 = arith.constant 2 : i32
        %dma_wait3A_301 = arith.constant 2 : i32
        %dma_wait3A_302 = arith.constant 0 : i32
        %dma_wait3A_303 = arith.constant 0 : i32
        %dma_wait3A_304 = tpu.memref_slice %arg6[%dma_wait3A_300, %dma_wait3A_302, %dma_wait3A_303] : memref<3x32x1024xf32, #tpu.memory_space<vmem>> -> memref<1x32x1024xf32, #tpu.memory_space<vmem>>
        %dma_wait3A_305 = tpu.memref_squeeze %dma_wait3A_304 : memref<1x32x1024xf32, #tpu.memory_space<vmem>> -> memref<32x1024xf32, #tpu.memory_space<vmem>>
        %dma_wait3A_306 = arith.constant 0 : i32
        %dma_wait3A_307 = tpu.memref_slice %arg4[%add3A_299, %dma_wait3A_306] : memref<32768x1024xf32, #tpu.memory_space<hbm>> -> memref<32x1024xf32, #tpu.memory_space<hbm>>
        %dma_wait3A_308 = tpu.memref_slice %arg8[%dma_wait3A_301] : memref<3x!tpu.dma_semaphore, #tpu.memory_space<semaphore_mem>> -> memref<1x!tpu.dma_semaphore, #tpu.memory_space<semaphore_mem>>
        %dma_wait3A_309 = tpu.memref_squeeze %dma_wait3A_308 : memref<1x!tpu.dma_semaphore, #tpu.memory_space<semaphore_mem>> -> memref<!tpu.dma_semaphore, #tpu.memory_space<semaphore_mem>>
        %dma_wait3A_310 = arith.constant 0 : i32
        %dma_wait3A_311 = tpu.memref_slice %arg4[%add3A_299, %dma_wait3A_310] : memref<32768x1024xf32, #tpu.memory_space<hbm>> -> memref<32x1024xf32, #tpu.memory_space<hbm>>
        %dma_wait3A_312 = arith.constant 0 : i32
        %dma_wait3A_313 = arith.constant 0 : i32
        %dma_wait3A_314 = tpu.memref_slice %arg6[%dma_wait3A_300, %dma_wait3A_312, %dma_wait3A_313] : memref<3x32x1024xf32, #tpu.memory_space<vmem>> -> memref<1x32x1024xf32, #tpu.memory_space<vmem>>
        %dma_wait3A_315 = tpu.memref_squeeze %dma_wait3A_314 : memref<1x32x1024xf32, #tpu.memory_space<vmem>> -> memref<32x1024xf32, #tpu.memory_space<vmem>>
        tpu.wait_dma2 semaphore(%dma_wait3A_309 : memref<!tpu.dma_semaphore, #tpu.memory_space<semaphore_mem>>) src(%dma_wait3A_315 : memref<32x1024xf32, #tpu.memory_space<vmem>>) dst(%dma_wait3A_311 : memref<32x1024xf32, #tpu.memory_space<hbm>>)
      } else {
      }
      %add3A_163 = arith.constant 2 : i32
      %add3A_164 = arith.addi %add3A_160, %add3A_163 : i32
      %lt3A = arith.constant 32 : i32
      %lt3A_165 = arith.cmpi slt, %add3A_164, %lt3A : i32
      %convert_element_type3A_166 = arith.extui %lt3A_165 : i1 to i32
      %cond3A_167 = arith.constant 0 : i32
      %cond3A_168 = arith.cmpi ne, %convert_element_type3A_166, %cond3A_167 : i32
      scf.if %cond3A_168 {
        %add3A_296 = arith.constant 2 : i32
        %add3A_297 = arith.addi %add3A_160, %add3A_296 : i32
        %dma_start3A_298 = arith.constant 2 : i32
        %dma_start3A_299 = arith.constant 2 : i32
        %dma_start3A_300 = arith.constant 0 : i32
        %dma_start3A_301 = arith.constant 0 : i32
        %dma_start3A_302 = tpu.memref_slice %arg6[%dma_start3A_298, %dma_start3A_300, %dma_start3A_301] : memref<3x32x1024xf32, #tpu.memory_space<vmem>> -> memref<1x32x1024xf32, #tpu.memory_space<vmem>>
        %dma_start3A_303 = tpu.memref_squeeze %dma_start3A_302 : memref<1x32x1024xf32, #tpu.memory_space<vmem>> -> memref<32x1024xf32, #tpu.memory_space<vmem>>
        %dma_start3A_304 = arith.constant 0 : i32
        %dma_start3A_305 = tpu.memref_slice %arg5[%add3A_297, %dma_start3A_304] : memref<32x32xi32, #tpu.memory_space<vmem>> -> memref<1x32xi32, #tpu.memory_space<vmem>>
        %dma_start3A_306 = tpu.memref_squeeze %dma_start3A_305 : memref<1x32xi32, #tpu.memory_space<vmem>> -> memref<32xi32, #tpu.memory_space<vmem>>
        %dma_start3A_307 = arith.constant 0 : i32
        %dma_start3A_308 = arith.constant 0 : i32
        %dma_start3A_309 = tpu.memref_slice %arg2[%dma_start3A_307, %dma_start3A_308] : memref<8192x1024xf32, #tpu.memory_space<hbm>> -> memref<8192x1024xf32, #tpu.memory_space<hbm>>
        %dma_start3A_310 = tpu.memref_slice %arg7[%dma_start3A_299] : memref<3x!tpu.dma_semaphore, #tpu.memory_space<semaphore_mem>> -> memref<1x!tpu.dma_semaphore, #tpu.memory_space<semaphore_mem>>
        %dma_start3A_311 = tpu.memref_squeeze %dma_start3A_310 : memref<1x!tpu.dma_semaphore, #tpu.memory_space<semaphore_mem>> -> memref<!tpu.dma_semaphore, #tpu.memory_space<semaphore_mem>>
        tpu.enqueue_indirect_dma source(%dma_start3A_309 : memref<8192x1024xf32, #tpu.memory_space<hbm>>) target(%dma_start3A_303 : memref<32x1024xf32, #tpu.memory_space<vmem>>) offsets(%dma_start3A_306 : memref<32xi32, #tpu.memory_space<vmem>>) semaphore(%dma_start3A_311 : memref<!tpu.dma_semaphore, #tpu.memory_space<semaphore_mem>>)
      } else {
      }
      %dma_wait3A_169 = arith.constant 0 : i32
      %dma_wait3A_170 = arith.constant 0 : i32
      %dma_wait3A_171 = arith.constant 0 : i32
      %dma_wait3A_172 = arith.constant 0 : i32
      %dma_wait3A_173 = tpu.memref_slice %arg6[%dma_wait3A_169, %dma_wait3A_171, %dma_wait3A_172] : memref<3x32x1024xf32, #tpu.memory_space<vmem>> -> memref<1x32x1024xf32, #tpu.memory_space<vmem>>
      %dma_wait3A_174 = tpu.memref_squeeze %dma_wait3A_173 : memref<1x32x1024xf32, #tpu.memory_space<vmem>> -> memref<32x1024xf32, #tpu.memory_space<vmem>>
      %dma_wait3A_175 = arith.constant 0 : i32
      %dma_wait3A_176 = tpu.memref_slice %arg5[%add3A_160, %dma_wait3A_175] : memref<32x32xi32, #tpu.memory_space<vmem>> -> memref<1x32xi32, #tpu.memory_space<vmem>>
      %dma_wait3A_177 = tpu.memref_squeeze %dma_wait3A_176 : memref<1x32xi32, #tpu.memory_space<vmem>> -> memref<32xi32, #tpu.memory_space<vmem>>
      %dma_wait3A_178 = arith.constant 0 : i32
      %dma_wait3A_179 = arith.constant 0 : i32
      %dma_wait3A_180 = tpu.memref_slice %arg2[%dma_wait3A_178, %dma_wait3A_179] : memref<8192x1024xf32, #tpu.memory_space<hbm>> -> memref<8192x1024xf32, #tpu.memory_space<hbm>>
      %dma_wait3A_181 = tpu.memref_slice %arg7[%dma_wait3A_170] : memref<3x!tpu.dma_semaphore, #tpu.memory_space<semaphore_mem>> -> memref<1x!tpu.dma_semaphore, #tpu.memory_space<semaphore_mem>>
      %dma_wait3A_182 = tpu.memref_squeeze %dma_wait3A_181 : memref<1x!tpu.dma_semaphore, #tpu.memory_space<semaphore_mem>> -> memref<!tpu.dma_semaphore, #tpu.memory_space<semaphore_mem>>
      tpu.wait_indirect_dma semaphore(%dma_wait3A_182 : memref<!tpu.dma_semaphore, #tpu.memory_space<semaphore_mem>>) src(%dma_wait3A_180 : memref<8192x1024xf32, #tpu.memory_space<hbm>>) dst(%dma_wait3A_174 : memref<32x1024xf32, #tpu.memory_space<vmem>>)
      %mul3A_183 = arith.constant 32 : i32
      %mul3A_184 = arith.muli %add3A_160, %mul3A_183 : i32
      %add3A_185 = arith.addi %mul3A_2, %mul3A_184 : i32
      %dma_start3A_186 = arith.constant 0 : i32
      %dma_start3A_187 = arith.constant 0 : i32
      %dma_start3A_188 = arith.constant 0 : i32
      %dma_start3A_189 = arith.constant 0 : i32
      %dma_start3A_190 = tpu.memref_slice %arg6[%dma_start3A_186, %dma_start3A_188, %dma_start3A_189] : memref<3x32x1024xf32, #tpu.memory_space<vmem>> -> memref<1x32x1024xf32, #tpu.memory_space<vmem>>
      %dma_start3A_191 = tpu.memref_squeeze %dma_start3A_190 : memref<1x32x1024xf32, #tpu.memory_space<vmem>> -> memref<32x1024xf32, #tpu.memory_space<vmem>>
      %dma_start3A_192 = arith.constant 0 : i32
      %dma_start3A_193 = tpu.memref_slice %arg4[%add3A_185, %dma_start3A_192] : memref<32768x1024xf32, #tpu.memory_space<hbm>> -> memref<32x1024xf32, #tpu.memory_space<hbm>>
      %dma_start3A_194 = tpu.memref_slice %arg8[%dma_start3A_187] : memref<3x!tpu.dma_semaphore, #tpu.memory_space<semaphore_mem>> -> memref<1x!tpu.dma_semaphore, #tpu.memory_space<semaphore_mem>>
      %dma_start3A_195 = tpu.memref_squeeze %dma_start3A_194 : memref<1x!tpu.dma_semaphore, #tpu.memory_space<semaphore_mem>> -> memref<!tpu.dma_semaphore, #tpu.memory_space<semaphore_mem>>
      %dma_start3A_196 = arith.constant 0 : i32
      %dma_start3A_197 = tpu.memref_slice %arg4[%add3A_185, %dma_start3A_196] : memref<32768x1024xf32, #tpu.memory_space<hbm>> -> memref<32x1024xf32, #tpu.memory_space<hbm>>
      %dma_start3A_198 = arith.constant 0 : i32
      %dma_start3A_199 = arith.constant 0 : i32
      %dma_start3A_200 = tpu.memref_slice %arg6[%dma_start3A_186, %dma_start3A_198, %dma_start3A_199] : memref<3x32x1024xf32, #tpu.memory_space<vmem>> -> memref<1x32x1024xf32, #tpu.memory_space<vmem>>
      %dma_start3A_201 = tpu.memref_squeeze %dma_start3A_200 : memref<1x32x1024xf32, #tpu.memory_space<vmem>> -> memref<32x1024xf32, #tpu.memory_space<vmem>>
      tpu.enqueue_dma source(%dma_start3A_201 : memref<32x1024xf32, #tpu.memory_space<vmem>>) target(%dma_start3A_197 : memref<32x1024xf32, #tpu.memory_space<hbm>>) target_semaphore(%dma_start3A_195 : memref<!tpu.dma_semaphore, #tpu.memory_space<semaphore_mem>>)
      %add3A_202 = arith.constant 1 : i32
      %add3A_203 = arith.addi %mul3A_158, %add3A_202 : i32
      %ge3A_204 = arith.constant 1 : i32
      %ge3A_205 = arith.cmpi sge, %add3A_203, %ge3A_204 : i32
      %convert_element_type3A_206 = arith.extui %ge3A_205 : i1 to i32
      %cond3A_207 = arith.constant 0 : i32
      %cond3A_208 = arith.cmpi ne, %convert_element_type3A_206, %cond3A_207 : i32
      scf.if %cond3A_208 {
        %sub3A = arith.constant 1 : i32
        %sub3A_296 = arith.subi %add3A_203, %sub3A : i32
        %mul3A_297 = arith.constant 32 : i32
        %mul3A_298 = arith.muli %sub3A_296, %mul3A_297 : i32
        %add3A_299 = arith.addi %mul3A_2, %mul3A_298 : i32
        %dma_wait3A_300 = arith.constant 0 : i32
        %dma_wait3A_301 = arith.constant 0 : i32
        %dma_wait3A_302 = arith.constant 0 : i32
        %dma_wait3A_303 = arith.constant 0 : i32
        %dma_wait3A_304 = tpu.memref_slice %arg6[%dma_wait3A_300, %dma_wait3A_302, %dma_wait3A_303] : memref<3x32x1024xf32, #tpu.memory_space<vmem>> -> memref<1x32x1024xf32, #tpu.memory_space<vmem>>
        %dma_wait3A_305 = tpu.memref_squeeze %dma_wait3A_304 : memref<1x32x1024xf32, #tpu.memory_space<vmem>> -> memref<32x1024xf32, #tpu.memory_space<vmem>>
        %dma_wait3A_306 = arith.constant 0 : i32
        %dma_wait3A_307 = tpu.memref_slice %arg4[%add3A_299, %dma_wait3A_306] : memref<32768x1024xf32, #tpu.memory_space<hbm>> -> memref<32x1024xf32, #tpu.memory_space<hbm>>
        %dma_wait3A_308 = tpu.memref_slice %arg8[%dma_wait3A_301] : memref<3x!tpu.dma_semaphore, #tpu.memory_space<semaphore_mem>> -> memref<1x!tpu.dma_semaphore, #tpu.memory_space<semaphore_mem>>
        %dma_wait3A_309 = tpu.memref_squeeze %dma_wait3A_308 : memref<1x!tpu.dma_semaphore, #tpu.memory_space<semaphore_mem>> -> memref<!tpu.dma_semaphore, #tpu.memory_space<semaphore_mem>>
        %dma_wait3A_310 = arith.constant 0 : i32
        %dma_wait3A_311 = tpu.memref_slice %arg4[%add3A_299, %dma_wait3A_310] : memref<32768x1024xf32, #tpu.memory_space<hbm>> -> memref<32x1024xf32, #tpu.memory_space<hbm>>
        %dma_wait3A_312 = arith.constant 0 : i32
        %dma_wait3A_313 = arith.constant 0 : i32
        %dma_wait3A_314 = tpu.memref_slice %arg6[%dma_wait3A_300, %dma_wait3A_312, %dma_wait3A_313] : memref<3x32x1024xf32, #tpu.memory_space<vmem>> -> memref<1x32x1024xf32, #tpu.memory_space<vmem>>
        %dma_wait3A_315 = tpu.memref_squeeze %dma_wait3A_314 : memref<1x32x1024xf32, #tpu.memory_space<vmem>> -> memref<32x1024xf32, #tpu.memory_space<vmem>>
        tpu.wait_dma2 semaphore(%dma_wait3A_309 : memref<!tpu.dma_semaphore, #tpu.memory_space<semaphore_mem>>) src(%dma_wait3A_315 : memref<32x1024xf32, #tpu.memory_space<vmem>>) dst(%dma_wait3A_311 : memref<32x1024xf32, #tpu.memory_space<hbm>>)
      } else {
      }
      %add3A_209 = arith.constant 2 : i32
      %add3A_210 = arith.addi %add3A_203, %add3A_209 : i32
      %lt3A_211 = arith.constant 32 : i32
      %lt3A_212 = arith.cmpi slt, %add3A_210, %lt3A_211 : i32
      %convert_element_type3A_213 = arith.extui %lt3A_212 : i1 to i32
      %cond3A_214 = arith.constant 0 : i32
      %cond3A_215 = arith.cmpi ne, %convert_element_type3A_213, %cond3A_214 : i32
      scf.if %cond3A_215 {
        %add3A_296 = arith.constant 2 : i32
        %add3A_297 = arith.addi %add3A_203, %add3A_296 : i32
        %dma_start3A_298 = arith.constant 0 : i32
        %dma_start3A_299 = arith.constant 0 : i32
        %dma_start3A_300 = arith.constant 0 : i32
        %dma_start3A_301 = arith.constant 0 : i32
        %dma_start3A_302 = tpu.memref_slice %arg6[%dma_start3A_298, %dma_start3A_300, %dma_start3A_301] : memref<3x32x1024xf32, #tpu.memory_space<vmem>> -> memref<1x32x1024xf32, #tpu.memory_space<vmem>>
        %dma_start3A_303 = tpu.memref_squeeze %dma_start3A_302 : memref<1x32x1024xf32, #tpu.memory_space<vmem>> -> memref<32x1024xf32, #tpu.memory_space<vmem>>
        %dma_start3A_304 = arith.constant 0 : i32
        %dma_start3A_305 = tpu.memref_slice %arg5[%add3A_297, %dma_start3A_304] : memref<32x32xi32, #tpu.memory_space<vmem>> -> memref<1x32xi32, #tpu.memory_space<vmem>>
        %dma_start3A_306 = tpu.memref_squeeze %dma_start3A_305 : memref<1x32xi32, #tpu.memory_space<vmem>> -> memref<32xi32, #tpu.memory_space<vmem>>
        %dma_start3A_307 = arith.constant 0 : i32
        %dma_start3A_308 = arith.constant 0 : i32
        %dma_start3A_309 = tpu.memref_slice %arg2[%dma_start3A_307, %dma_start3A_308] : memref<8192x1024xf32, #tpu.memory_space<hbm>> -> memref<8192x1024xf32, #tpu.memory_space<hbm>>
        %dma_start3A_310 = tpu.memref_slice %arg7[%dma_start3A_299] : memref<3x!tpu.dma_semaphore, #tpu.memory_space<semaphore_mem>> -> memref<1x!tpu.dma_semaphore, #tpu.memory_space<semaphore_mem>>
        %dma_start3A_311 = tpu.memref_squeeze %dma_start3A_310 : memref<1x!tpu.dma_semaphore, #tpu.memory_space<semaphore_mem>> -> memref<!tpu.dma_semaphore, #tpu.memory_space<semaphore_mem>>
        tpu.enqueue_indirect_dma source(%dma_start3A_309 : memref<8192x1024xf32, #tpu.memory_space<hbm>>) target(%dma_start3A_303 : memref<32x1024xf32, #tpu.memory_space<vmem>>) offsets(%dma_start3A_306 : memref<32xi32, #tpu.memory_space<vmem>>) semaphore(%dma_start3A_311 : memref<!tpu.dma_semaphore, #tpu.memory_space<semaphore_mem>>)
      } else {
      }
      %dma_wait3A_216 = arith.constant 1 : i32
      %dma_wait3A_217 = arith.constant 1 : i32
      %dma_wait3A_218 = arith.constant 0 : i32
      %dma_wait3A_219 = arith.constant 0 : i32
      %dma_wait3A_220 = tpu.memref_slice %arg6[%dma_wait3A_216, %dma_wait3A_218, %dma_wait3A_219] : memref<3x32x1024xf32, #tpu.memory_space<vmem>> -> memref<1x32x1024xf32, #tpu.memory_space<vmem>>
      %dma_wait3A_221 = tpu.memref_squeeze %dma_wait3A_220 : memref<1x32x1024xf32, #tpu.memory_space<vmem>> -> memref<32x1024xf32, #tpu.memory_space<vmem>>
      %dma_wait3A_222 = arith.constant 0 : i32
      %dma_wait3A_223 = tpu.memref_slice %arg5[%add3A_203, %dma_wait3A_222] : memref<32x32xi32, #tpu.memory_space<vmem>> -> memref<1x32xi32, #tpu.memory_space<vmem>>
      %dma_wait3A_224 = tpu.memref_squeeze %dma_wait3A_223 : memref<1x32xi32, #tpu.memory_space<vmem>> -> memref<32xi32, #tpu.memory_space<vmem>>
      %dma_wait3A_225 = arith.constant 0 : i32
      %dma_wait3A_226 = arith.constant 0 : i32
      %dma_wait3A_227 = tpu.memref_slice %arg2[%dma_wait3A_225, %dma_wait3A_226] : memref<8192x1024xf32, #tpu.memory_space<hbm>> -> memref<8192x1024xf32, #tpu.memory_space<hbm>>
      %dma_wait3A_228 = tpu.memref_slice %arg7[%dma_wait3A_217] : memref<3x!tpu.dma_semaphore, #tpu.memory_space<semaphore_mem>> -> memref<1x!tpu.dma_semaphore, #tpu.memory_space<semaphore_mem>>
      %dma_wait3A_229 = tpu.memref_squeeze %dma_wait3A_228 : memref<1x!tpu.dma_semaphore, #tpu.memory_space<semaphore_mem>> -> memref<!tpu.dma_semaphore, #tpu.memory_space<semaphore_mem>>
      tpu.wait_indirect_dma semaphore(%dma_wait3A_229 : memref<!tpu.dma_semaphore, #tpu.memory_space<semaphore_mem>>) src(%dma_wait3A_227 : memref<8192x1024xf32, #tpu.memory_space<hbm>>) dst(%dma_wait3A_221 : memref<32x1024xf32, #tpu.memory_space<vmem>>)
      %mul3A_230 = arith.constant 32 : i32
      %mul3A_231 = arith.muli %add3A_203, %mul3A_230 : i32
      %add3A_232 = arith.addi %mul3A_2, %mul3A_231 : i32
      %dma_start3A_233 = arith.constant 1 : i32
      %dma_start3A_234 = arith.constant 1 : i32
      %dma_start3A_235 = arith.constant 0 : i32
      %dma_start3A_236 = arith.constant 0 : i32
      %dma_start3A_237 = tpu.memref_slice %arg6[%dma_start3A_233, %dma_start3A_235, %dma_start3A_236] : memref<3x32x1024xf32, #tpu.memory_space<vmem>> -> memref<1x32x1024xf32, #tpu.memory_space<vmem>>
      %dma_start3A_238 = tpu.memref_squeeze %dma_start3A_237 : memref<1x32x1024xf32, #tpu.memory_space<vmem>> -> memref<32x1024xf32, #tpu.memory_space<vmem>>
      %dma_start3A_239 = arith.constant 0 : i32
      %dma_start3A_240 = tpu.memref_slice %arg4[%add3A_232, %dma_start3A_239] : memref<32768x1024xf32, #tpu.memory_space<hbm>> -> memref<32x1024xf32, #tpu.memory_space<hbm>>
      %dma_start3A_241 = tpu.memref_slice %arg8[%dma_start3A_234] : memref<3x!tpu.dma_semaphore, #tpu.memory_space<semaphore_mem>> -> memref<1x!tpu.dma_semaphore, #tpu.memory_space<semaphore_mem>>
      %dma_start3A_242 = tpu.memref_squeeze %dma_start3A_241 : memref<1x!tpu.dma_semaphore, #tpu.memory_space<semaphore_mem>> -> memref<!tpu.dma_semaphore, #tpu.memory_space<semaphore_mem>>
      %dma_start3A_243 = arith.constant 0 : i32
      %dma_start3A_244 = tpu.memref_slice %arg4[%add3A_232, %dma_start3A_243] : memref<32768x1024xf32, #tpu.memory_space<hbm>> -> memref<32x1024xf32, #tpu.memory_space<hbm>>
      %dma_start3A_245 = arith.constant 0 : i32
      %dma_start3A_246 = arith.constant 0 : i32
      %dma_start3A_247 = tpu.memref_slice %arg6[%dma_start3A_233, %dma_start3A_245, %dma_start3A_246] : memref<3x32x1024xf32, #tpu.memory_space<vmem>> -> memref<1x32x1024xf32, #tpu.memory_space<vmem>>
      %dma_start3A_248 = tpu.memref_squeeze %dma_start3A_247 : memref<1x32x1024xf32, #tpu.memory_space<vmem>> -> memref<32x1024xf32, #tpu.memory_space<vmem>>
      tpu.enqueue_dma source(%dma_start3A_248 : memref<32x1024xf32, #tpu.memory_space<vmem>>) target(%dma_start3A_244 : memref<32x1024xf32, #tpu.memory_space<hbm>>) target_semaphore(%dma_start3A_242 : memref<!tpu.dma_semaphore, #tpu.memory_space<semaphore_mem>>)
      %add3A_249 = arith.constant 2 : i32
      %add3A_250 = arith.addi %mul3A_158, %add3A_249 : i32
      %ge3A_251 = arith.constant 1 : i32
      %ge3A_252 = arith.cmpi sge, %add3A_250, %ge3A_251 : i32
      %convert_element_type3A_253 = arith.extui %ge3A_252 : i1 to i32
      %cond3A_254 = arith.constant 0 : i32
      %cond3A_255 = arith.cmpi ne, %convert_element_type3A_253, %cond3A_254 : i32
      scf.if %cond3A_255 {
        %sub3A = arith.constant 1 : i32
        %sub3A_296 = arith.subi %add3A_250, %sub3A : i32
        %mul3A_297 = arith.constant 32 : i32
        %mul3A_298 = arith.muli %sub3A_296, %mul3A_297 : i32
        %add3A_299 = arith.addi %mul3A_2, %mul3A_298 : i32
        %dma_wait3A_300 = arith.constant 1 : i32
        %dma_wait3A_301 = arith.constant 1 : i32
        %dma_wait3A_302 = arith.constant 0 : i32
        %dma_wait3A_303 = arith.constant 0 : i32
        %dma_wait3A_304 = tpu.memref_slice %arg6[%dma_wait3A_300, %dma_wait3A_302, %dma_wait3A_303] : memref<3x32x1024xf32, #tpu.memory_space<vmem>> -> memref<1x32x1024xf32, #tpu.memory_space<vmem>>
        %dma_wait3A_305 = tpu.memref_squeeze %dma_wait3A_304 : memref<1x32x1024xf32, #tpu.memory_space<vmem>> -> memref<32x1024xf32, #tpu.memory_space<vmem>>
        %dma_wait3A_306 = arith.constant 0 : i32
        %dma_wait3A_307 = tpu.memref_slice %arg4[%add3A_299, %dma_wait3A_306] : memref<32768x1024xf32, #tpu.memory_space<hbm>> -> memref<32x1024xf32, #tpu.memory_space<hbm>>
        %dma_wait3A_308 = tpu.memref_slice %arg8[%dma_wait3A_301] : memref<3x!tpu.dma_semaphore, #tpu.memory_space<semaphore_mem>> -> memref<1x!tpu.dma_semaphore, #tpu.memory_space<semaphore_mem>>
        %dma_wait3A_309 = tpu.memref_squeeze %dma_wait3A_308 : memref<1x!tpu.dma_semaphore, #tpu.memory_space<semaphore_mem>> -> memref<!tpu.dma_semaphore, #tpu.memory_space<semaphore_mem>>
        %dma_wait3A_310 = arith.constant 0 : i32
        %dma_wait3A_311 = tpu.memref_slice %arg4[%add3A_299, %dma_wait3A_310] : memref<32768x1024xf32, #tpu.memory_space<hbm>> -> memref<32x1024xf32, #tpu.memory_space<hbm>>
        %dma_wait3A_312 = arith.constant 0 : i32
        %dma_wait3A_313 = arith.constant 0 : i32
        %dma_wait3A_314 = tpu.memref_slice %arg6[%dma_wait3A_300, %dma_wait3A_312, %dma_wait3A_313] : memref<3x32x1024xf32, #tpu.memory_space<vmem>> -> memref<1x32x1024xf32, #tpu.memory_space<vmem>>
        %dma_wait3A_315 = tpu.memref_squeeze %dma_wait3A_314 : memref<1x32x1024xf32, #tpu.memory_space<vmem>> -> memref<32x1024xf32, #tpu.memory_space<vmem>>
        tpu.wait_dma2 semaphore(%dma_wait3A_309 : memref<!tpu.dma_semaphore, #tpu.memory_space<semaphore_mem>>) src(%dma_wait3A_315 : memref<32x1024xf32, #tpu.memory_space<vmem>>) dst(%dma_wait3A_311 : memref<32x1024xf32, #tpu.memory_space<hbm>>)
      } else {
      }
      %add3A_256 = arith.constant 2 : i32
      %add3A_257 = arith.addi %add3A_250, %add3A_256 : i32
      %lt3A_258 = arith.constant 32 : i32
      %lt3A_259 = arith.cmpi slt, %add3A_257, %lt3A_258 : i32
      %convert_element_type3A_260 = arith.extui %lt3A_259 : i1 to i32
      %cond3A_261 = arith.constant 0 : i32
      %cond3A_262 = arith.cmpi ne, %convert_element_type3A_260, %cond3A_261 : i32
      scf.if %cond3A_262 {
        %add3A_296 = arith.constant 2 : i32
        %add3A_297 = arith.addi %add3A_250, %add3A_296 : i32
        %dma_start3A_298 = arith.constant 1 : i32
        %dma_start3A_299 = arith.constant 1 : i32
        %dma_start3A_300 = arith.constant 0 : i32
        %dma_start3A_301 = arith.constant 0 : i32
        %dma_start3A_302 = tpu.memref_slice %arg6[%dma_start3A_298, %dma_start3A_300, %dma_start3A_301] : memref<3x32x1024xf32, #tpu.memory_space<vmem>> -> memref<1x32x1024xf32, #tpu.memory_space<vmem>>
        %dma_start3A_303 = tpu.memref_squeeze %dma_start3A_302 : memref<1x32x1024xf32, #tpu.memory_space<vmem>> -> memref<32x1024xf32, #tpu.memory_space<vmem>>
        %dma_start3A_304 = arith.constant 0 : i32
        %dma_start3A_305 = tpu.memref_slice %arg5[%add3A_297, %dma_start3A_304] : memref<32x32xi32, #tpu.memory_space<vmem>> -> memref<1x32xi32, #tpu.memory_space<vmem>>
        %dma_start3A_306 = tpu.memref_squeeze %dma_start3A_305 : memref<1x32xi32, #tpu.memory_space<vmem>> -> memref<32xi32, #tpu.memory_space<vmem>>
        %dma_start3A_307 = arith.constant 0 : i32
        %dma_start3A_308 = arith.constant 0 : i32
        %dma_start3A_309 = tpu.memref_slice %arg2[%dma_start3A_307, %dma_start3A_308] : memref<8192x1024xf32, #tpu.memory_space<hbm>> -> memref<8192x1024xf32, #tpu.memory_space<hbm>>
        %dma_start3A_310 = tpu.memref_slice %arg7[%dma_start3A_299] : memref<3x!tpu.dma_semaphore, #tpu.memory_space<semaphore_mem>> -> memref<1x!tpu.dma_semaphore, #tpu.memory_space<semaphore_mem>>
        %dma_start3A_311 = tpu.memref_squeeze %dma_start3A_310 : memref<1x!tpu.dma_semaphore, #tpu.memory_space<semaphore_mem>> -> memref<!tpu.dma_semaphore, #tpu.memory_space<semaphore_mem>>
        tpu.enqueue_indirect_dma source(%dma_start3A_309 : memref<8192x1024xf32, #tpu.memory_space<hbm>>) target(%dma_start3A_303 : memref<32x1024xf32, #tpu.memory_space<vmem>>) offsets(%dma_start3A_306 : memref<32xi32, #tpu.memory_space<vmem>>) semaphore(%dma_start3A_311 : memref<!tpu.dma_semaphore, #tpu.memory_space<semaphore_mem>>)
      } else {
      }
      %dma_wait3A_263 = arith.constant 2 : i32
      %dma_wait3A_264 = arith.constant 2 : i32
      %dma_wait3A_265 = arith.constant 0 : i32
      %dma_wait3A_266 = arith.constant 0 : i32
      %dma_wait3A_267 = tpu.memref_slice %arg6[%dma_wait3A_263, %dma_wait3A_265, %dma_wait3A_266] : memref<3x32x1024xf32, #tpu.memory_space<vmem>> -> memref<1x32x1024xf32, #tpu.memory_space<vmem>>
      %dma_wait3A_268 = tpu.memref_squeeze %dma_wait3A_267 : memref<1x32x1024xf32, #tpu.memory_space<vmem>> -> memref<32x1024xf32, #tpu.memory_space<vmem>>
      %dma_wait3A_269 = arith.constant 0 : i32
      %dma_wait3A_270 = tpu.memref_slice %arg5[%add3A_250, %dma_wait3A_269] : memref<32x32xi32, #tpu.memory_space<vmem>> -> memref<1x32xi32, #tpu.memory_space<vmem>>
      %dma_wait3A_271 = tpu.memref_squeeze %dma_wait3A_270 : memref<1x32xi32, #tpu.memory_space<vmem>> -> memref<32xi32, #tpu.memory_space<vmem>>
      %dma_wait3A_272 = arith.constant 0 : i32
      %dma_wait3A_273 = arith.constant 0 : i32
      %dma_wait3A_274 = tpu.memref_slice %arg2[%dma_wait3A_272, %dma_wait3A_273] : memref<8192x1024xf32, #tpu.memory_space<hbm>> -> memref<8192x1024xf32, #tpu.memory_space<hbm>>
      %dma_wait3A_275 = tpu.memref_slice %arg7[%dma_wait3A_264] : memref<3x!tpu.dma_semaphore, #tpu.memory_space<semaphore_mem>> -> memref<1x!tpu.dma_semaphore, #tpu.memory_space<semaphore_mem>>
      %dma_wait3A_276 = tpu.memref_squeeze %dma_wait3A_275 : memref<1x!tpu.dma_semaphore, #tpu.memory_space<semaphore_mem>> -> memref<!tpu.dma_semaphore, #tpu.memory_space<semaphore_mem>>
      tpu.wait_indirect_dma semaphore(%dma_wait3A_276 : memref<!tpu.dma_semaphore, #tpu.memory_space<semaphore_mem>>) src(%dma_wait3A_274 : memref<8192x1024xf32, #tpu.memory_space<hbm>>) dst(%dma_wait3A_268 : memref<32x1024xf32, #tpu.memory_space<vmem>>)
      %mul3A_277 = arith.constant 32 : i32
      %mul3A_278 = arith.muli %add3A_250, %mul3A_277 : i32
      %add3A_279 = arith.addi %mul3A_2, %mul3A_278 : i32
      %dma_start3A_280 = arith.constant 2 : i32
      %dma_start3A_281 = arith.constant 2 : i32
      %dma_start3A_282 = arith.constant 0 : i32
      %dma_start3A_283 = arith.constant 0 : i32
      %dma_start3A_284 = tpu.memref_slice %arg6[%dma_start3A_280, %dma_start3A_282, %dma_start3A_283] : memref<3x32x1024xf32, #tpu.memory_space<vmem>> -> memref<1x32x1024xf32, #tpu.memory_space<vmem>>
      %dma_start3A_285 = tpu.memref_squeeze %dma_start3A_284 : memref<1x32x1024xf32, #tpu.memory_space<vmem>> -> memref<32x1024xf32, #tpu.memory_space<vmem>>
      %dma_start3A_286 = arith.constant 0 : i32
      %dma_start3A_287 = tpu.memref_slice %arg4[%add3A_279, %dma_start3A_286] : memref<32768x1024xf32, #tpu.memory_space<hbm>> -> memref<32x1024xf32, #tpu.memory_space<hbm>>
      %dma_start3A_288 = tpu.memref_slice %arg8[%dma_start3A_281] : memref<3x!tpu.dma_semaphore, #tpu.memory_space<semaphore_mem>> -> memref<1x!tpu.dma_semaphore, #tpu.memory_space<semaphore_mem>>
      %dma_start3A_289 = tpu.memref_squeeze %dma_start3A_288 : memref<1x!tpu.dma_semaphore, #tpu.memory_space<semaphore_mem>> -> memref<!tpu.dma_semaphore, #tpu.memory_space<semaphore_mem>>
      %dma_start3A_290 = arith.constant 0 : i32
      %dma_start3A_291 = tpu.memref_slice %arg4[%add3A_279, %dma_start3A_290] : memref<32768x1024xf32, #tpu.memory_space<hbm>> -> memref<32x1024xf32, #tpu.memory_space<hbm>>
      %dma_start3A_292 = arith.constant 0 : i32
      %dma_start3A_293 = arith.constant 0 : i32
      %dma_start3A_294 = tpu.memref_slice %arg6[%dma_start3A_280, %dma_start3A_292, %dma_start3A_293] : memref<3x32x1024xf32, #tpu.memory_space<vmem>> -> memref<1x32x1024xf32, #tpu.memory_space<vmem>>
      %dma_start3A_295 = tpu.memref_squeeze %dma_start3A_294 : memref<1x32x1024xf32, #tpu.memory_space<vmem>> -> memref<32x1024xf32, #tpu.memory_space<vmem>>
      tpu.enqueue_dma source(%dma_start3A_295 : memref<32x1024xf32, #tpu.memory_space<vmem>>) target(%dma_start3A_291 : memref<32x1024xf32, #tpu.memory_space<hbm>>) target_semaphore(%dma_start3A_289 : memref<!tpu.dma_semaphore, #tpu.memory_space<semaphore_mem>>)
    }
    %scan3A_36 = arith.constant 10 : i32
    %add3A_37 = arith.constant 928 : i32
    %add3A_38 = arith.addi %mul3A_2, %add3A_37 : i32
    %dma_wait3A = arith.constant 2 : i32
    %dma_wait3A_39 = arith.constant 2 : i32
    %dma_wait3A_40 = arith.constant 0 : i32
    %dma_wait3A_41 = arith.constant 0 : i32
    %dma_wait3A_42 = tpu.memref_slice %arg6[%dma_wait3A, %dma_wait3A_40, %dma_wait3A_41] : memref<3x32x1024xf32, #tpu.memory_space<vmem>> -> memref<1x32x1024xf32, #tpu.memory_space<vmem>>
    %dma_wait3A_43 = tpu.memref_squeeze %dma_wait3A_42 : memref<1x32x1024xf32, #tpu.memory_space<vmem>> -> memref<32x1024xf32, #tpu.memory_space<vmem>>
    %dma_wait3A_44 = arith.constant 0 : i32
    %dma_wait3A_45 = tpu.memref_slice %arg4[%add3A_38, %dma_wait3A_44] : memref<32768x1024xf32, #tpu.memory_space<hbm>> -> memref<32x1024xf32, #tpu.memory_space<hbm>>
    %dma_wait3A_46 = tpu.memref_slice %arg8[%dma_wait3A_39] : memref<3x!tpu.dma_semaphore, #tpu.memory_space<semaphore_mem>> -> memref<1x!tpu.dma_semaphore, #tpu.memory_space<semaphore_mem>>
    %dma_wait3A_47 = tpu.memref_squeeze %dma_wait3A_46 : memref<1x!tpu.dma_semaphore, #tpu.memory_space<semaphore_mem>> -> memref<!tpu.dma_semaphore, #tpu.memory_space<semaphore_mem>>
    %dma_wait3A_48 = arith.constant 0 : i32
    %dma_wait3A_49 = tpu.memref_slice %arg4[%add3A_38, %dma_wait3A_48] : memref<32768x1024xf32, #tpu.memory_space<hbm>> -> memref<32x1024xf32, #tpu.memory_space<hbm>>
    %dma_wait3A_50 = arith.constant 0 : i32
    %dma_wait3A_51 = arith.constant 0 : i32
    %dma_wait3A_52 = tpu.memref_slice %arg6[%dma_wait3A, %dma_wait3A_50, %dma_wait3A_51] : memref<3x32x1024xf32, #tpu.memory_space<vmem>> -> memref<1x32x1024xf32, #tpu.memory_space<vmem>>
    %dma_wait3A_53 = tpu.memref_squeeze %dma_wait3A_52 : memref<1x32x1024xf32, #tpu.memory_space<vmem>> -> memref<32x1024xf32, #tpu.memory_space<vmem>>
    tpu.wait_dma2 semaphore(%dma_wait3A_47 : memref<!tpu.dma_semaphore, #tpu.memory_space<semaphore_mem>>) src(%dma_wait3A_53 : memref<32x1024xf32, #tpu.memory_space<vmem>>) dst(%dma_wait3A_49 : memref<32x1024xf32, #tpu.memory_space<hbm>>)
    %dma_wait3A_54 = arith.constant 30 : i32
    %dma_wait3A_55 = arith.constant 0 : i32
    %dma_wait3A_56 = arith.constant 0 : i32
    %dma_wait3A_57 = arith.constant 0 : i32
    %dma_wait3A_58 = arith.constant 0 : i32
    %dma_wait3A_59 = tpu.memref_slice %arg6[%dma_wait3A_55, %dma_wait3A_57, %dma_wait3A_58] : memref<3x32x1024xf32, #tpu.memory_space<vmem>> -> memref<1x32x1024xf32, #tpu.memory_space<vmem>>
    %dma_wait3A_60 = tpu.memref_squeeze %dma_wait3A_59 : memref<1x32x1024xf32, #tpu.memory_space<vmem>> -> memref<32x1024xf32, #tpu.memory_space<vmem>>
    %dma_wait3A_61 = arith.constant 0 : i32
    %dma_wait3A_62 = tpu.memref_slice %arg5[%dma_wait3A_54, %dma_wait3A_61] : memref<32x32xi32, #tpu.memory_space<vmem>> -> memref<1x32xi32, #tpu.memory_space<vmem>>
    %dma_wait3A_63 = tpu.memref_squeeze %dma_wait3A_62 : memref<1x32xi32, #tpu.memory_space<vmem>> -> memref<32xi32, #tpu.memory_space<vmem>>
    %dma_wait3A_64 = arith.constant 0 : i32
    %dma_wait3A_65 = arith.constant 0 : i32
    %dma_wait3A_66 = tpu.memref_slice %arg2[%dma_wait3A_64, %dma_wait3A_65] : memref<8192x1024xf32, #tpu.memory_space<hbm>> -> memref<8192x1024xf32, #tpu.memory_space<hbm>>
    %dma_wait3A_67 = tpu.memref_slice %arg7[%dma_wait3A_56] : memref<3x!tpu.dma_semaphore, #tpu.memory_space<semaphore_mem>> -> memref<1x!tpu.dma_semaphore, #tpu.memory_space<semaphore_mem>>
    %dma_wait3A_68 = tpu.memref_squeeze %dma_wait3A_67 : memref<1x!tpu.dma_semaphore, #tpu.memory_space<semaphore_mem>> -> memref<!tpu.dma_semaphore, #tpu.memory_space<semaphore_mem>>
    tpu.wait_indirect_dma semaphore(%dma_wait3A_68 : memref<!tpu.dma_semaphore, #tpu.memory_space<semaphore_mem>>) src(%dma_wait3A_66 : memref<8192x1024xf32, #tpu.memory_space<hbm>>) dst(%dma_wait3A_60 : memref<32x1024xf32, #tpu.memory_space<vmem>>)
    %add3A_69 = arith.constant 960 : i32
    %add3A_70 = arith.addi %mul3A_2, %add3A_69 : i32
    %dma_start3A_71 = arith.constant 0 : i32
    %dma_start3A_72 = arith.constant 0 : i32
    %dma_start3A_73 = arith.constant 0 : i32
    %dma_start3A_74 = arith.constant 0 : i32
    %dma_start3A_75 = tpu.memref_slice %arg6[%dma_start3A_71, %dma_start3A_73, %dma_start3A_74] : memref<3x32x1024xf32, #tpu.memory_space<vmem>> -> memref<1x32x1024xf32, #tpu.memory_space<vmem>>
    %dma_start3A_76 = tpu.memref_squeeze %dma_start3A_75 : memref<1x32x1024xf32, #tpu.memory_space<vmem>> -> memref<32x1024xf32, #tpu.memory_space<vmem>>
    %dma_start3A_77 = arith.constant 0 : i32
    %dma_start3A_78 = tpu.memref_slice %arg4[%add3A_70, %dma_start3A_77] : memref<32768x1024xf32, #tpu.memory_space<hbm>> -> memref<32x1024xf32, #tpu.memory_space<hbm>>
    %dma_start3A_79 = tpu.memref_slice %arg8[%dma_start3A_72] : memref<3x!tpu.dma_semaphore, #tpu.memory_space<semaphore_mem>> -> memref<1x!tpu.dma_semaphore, #tpu.memory_space<semaphore_mem>>
    %dma_start3A_80 = tpu.memref_squeeze %dma_start3A_79 : memref<1x!tpu.dma_semaphore, #tpu.memory_space<semaphore_mem>> -> memref<!tpu.dma_semaphore, #tpu.memory_space<semaphore_mem>>
    %dma_start3A_81 = arith.constant 0 : i32
    %dma_start3A_82 = tpu.memref_slice %arg4[%add3A_70, %dma_start3A_81] : memref<32768x1024xf32, #tpu.memory_space<hbm>> -> memref<32x1024xf32, #tpu.memory_space<hbm>>
    %dma_start3A_83 = arith.constant 0 : i32
    %dma_start3A_84 = arith.constant 0 : i32
    %dma_start3A_85 = tpu.memref_slice %arg6[%dma_start3A_71, %dma_start3A_83, %dma_start3A_84] : memref<3x32x1024xf32, #tpu.memory_space<vmem>> -> memref<1x32x1024xf32, #tpu.memory_space<vmem>>
    %dma_start3A_86 = tpu.memref_squeeze %dma_start3A_85 : memref<1x32x1024xf32, #tpu.memory_space<vmem>> -> memref<32x1024xf32, #tpu.memory_space<vmem>>
    tpu.enqueue_dma source(%dma_start3A_86 : memref<32x1024xf32, #tpu.memory_space<vmem>>) target(%dma_start3A_82 : memref<32x1024xf32, #tpu.memory_space<hbm>>) target_semaphore(%dma_start3A_80 : memref<!tpu.dma_semaphore, #tpu.memory_space<semaphore_mem>>)
    %add3A_87 = arith.constant 960 : i32
    %add3A_88 = arith.addi %mul3A_2, %add3A_87 : i32
    %dma_wait3A_89 = arith.constant 0 : i32
    %dma_wait3A_90 = arith.constant 0 : i32
    %dma_wait3A_91 = arith.constant 0 : i32
    %dma_wait3A_92 = arith.constant 0 : i32
    %dma_wait3A_93 = tpu.memref_slice %arg6[%dma_wait3A_89, %dma_wait3A_91, %dma_wait3A_92] : memref<3x32x1024xf32, #tpu.memory_space<vmem>> -> memref<1x32x1024xf32, #tpu.memory_space<vmem>>
    %dma_wait3A_94 = tpu.memref_squeeze %dma_wait3A_93 : memref<1x32x1024xf32, #tpu.memory_space<vmem>> -> memref<32x1024xf32, #tpu.memory_space<vmem>>
    %dma_wait3A_95 = arith.constant 0 : i32
    %dma_wait3A_96 = tpu.memref_slice %arg4[%add3A_88, %dma_wait3A_95] : memref<32768x1024xf32, #tpu.memory_space<hbm>> -> memref<32x1024xf32, #tpu.memory_space<hbm>>
    %dma_wait3A_97 = tpu.memref_slice %arg8[%dma_wait3A_90] : memref<3x!tpu.dma_semaphore, #tpu.memory_space<semaphore_mem>> -> memref<1x!tpu.dma_semaphore, #tpu.memory_space<semaphore_mem>>
    %dma_wait3A_98 = tpu.memref_squeeze %dma_wait3A_97 : memref<1x!tpu.dma_semaphore, #tpu.memory_space<semaphore_mem>> -> memref<!tpu.dma_semaphore, #tpu.memory_space<semaphore_mem>>
    %dma_wait3A_99 = arith.constant 0 : i32
    %dma_wait3A_100 = tpu.memref_slice %arg4[%add3A_88, %dma_wait3A_99] : memref<32768x1024xf32, #tpu.memory_space<hbm>> -> memref<32x1024xf32, #tpu.memory_space<hbm>>
    %dma_wait3A_101 = arith.constant 0 : i32
    %dma_wait3A_102 = arith.constant 0 : i32
    %dma_wait3A_103 = tpu.memref_slice %arg6[%dma_wait3A_89, %dma_wait3A_101, %dma_wait3A_102] : memref<3x32x1024xf32, #tpu.memory_space<vmem>> -> memref<1x32x1024xf32, #tpu.memory_space<vmem>>
    %dma_wait3A_104 = tpu.memref_squeeze %dma_wait3A_103 : memref<1x32x1024xf32, #tpu.memory_space<vmem>> -> memref<32x1024xf32, #tpu.memory_space<vmem>>
    tpu.wait_dma2 semaphore(%dma_wait3A_98 : memref<!tpu.dma_semaphore, #tpu.memory_space<semaphore_mem>>) src(%dma_wait3A_104 : memref<32x1024xf32, #tpu.memory_space<vmem>>) dst(%dma_wait3A_100 : memref<32x1024xf32, #tpu.memory_space<hbm>>)
    %dma_wait3A_105 = arith.constant 31 : i32
    %dma_wait3A_106 = arith.constant 1 : i32
    %dma_wait3A_107 = arith.constant 1 : i32
    %dma_wait3A_108 = arith.constant 0 : i32
    %dma_wait3A_109 = arith.constant 0 : i32
    %dma_wait3A_110 = tpu.memref_slice %arg6[%dma_wait3A_106, %dma_wait3A_108, %dma_wait3A_109] : memref<3x32x1024xf32, #tpu.memory_space<vmem>> -> memref<1x32x1024xf32, #tpu.memory_space<vmem>>
    %dma_wait3A_111 = tpu.memref_squeeze %dma_wait3A_110 : memref<1x32x1024xf32, #tpu.memory_space<vmem>> -> memref<32x1024xf32, #tpu.memory_space<vmem>>
    %dma_wait3A_112 = arith.constant 0 : i32
    %dma_wait3A_113 = tpu.memref_slice %arg5[%dma_wait3A_105, %dma_wait3A_112] : memref<32x32xi32, #tpu.memory_space<vmem>> -> memref<1x32xi32, #tpu.memory_space<vmem>>
    %dma_wait3A_114 = tpu.memref_squeeze %dma_wait3A_113 : memref<1x32xi32, #tpu.memory_space<vmem>> -> memref<32xi32, #tpu.memory_space<vmem>>
    %dma_wait3A_115 = arith.constant 0 : i32
    %dma_wait3A_116 = arith.constant 0 : i32
    %dma_wait3A_117 = tpu.memref_slice %arg2[%dma_wait3A_115, %dma_wait3A_116] : memref<8192x1024xf32, #tpu.memory_space<hbm>> -> memref<8192x1024xf32, #tpu.memory_space<hbm>>
    %dma_wait3A_118 = tpu.memref_slice %arg7[%dma_wait3A_107] : memref<3x!tpu.dma_semaphore, #tpu.memory_space<semaphore_mem>> -> memref<1x!tpu.dma_semaphore, #tpu.memory_space<semaphore_mem>>
    %dma_wait3A_119 = tpu.memref_squeeze %dma_wait3A_118 : memref<1x!tpu.dma_semaphore, #tpu.memory_space<semaphore_mem>> -> memref<!tpu.dma_semaphore, #tpu.memory_space<semaphore_mem>>
    tpu.wait_indirect_dma semaphore(%dma_wait3A_119 : memref<!tpu.dma_semaphore, #tpu.memory_space<semaphore_mem>>) src(%dma_wait3A_117 : memref<8192x1024xf32, #tpu.memory_space<hbm>>) dst(%dma_wait3A_111 : memref<32x1024xf32, #tpu.memory_space<vmem>>)
    %add3A_120 = arith.constant 992 : i32
    %add3A_121 = arith.addi %mul3A_2, %add3A_120 : i32
    %dma_start3A_122 = arith.constant 1 : i32
    %dma_start3A_123 = arith.constant 1 : i32
    %dma_start3A_124 = arith.constant 0 : i32
    %dma_start3A_125 = arith.constant 0 : i32
    %dma_start3A_126 = tpu.memref_slice %arg6[%dma_start3A_122, %dma_start3A_124, %dma_start3A_125] : memref<3x32x1024xf32, #tpu.memory_space<vmem>> -> memref<1x32x1024xf32, #tpu.memory_space<vmem>>
    %dma_start3A_127 = tpu.memref_squeeze %dma_start3A_126 : memref<1x32x1024xf32, #tpu.memory_space<vmem>> -> memref<32x1024xf32, #tpu.memory_space<vmem>>
    %dma_start3A_128 = arith.constant 0 : i32
    %dma_start3A_129 = tpu.memref_slice %arg4[%add3A_121, %dma_start3A_128] : memref<32768x1024xf32, #tpu.memory_space<hbm>> -> memref<32x1024xf32, #tpu.memory_space<hbm>>
    %dma_start3A_130 = tpu.memref_slice %arg8[%dma_start3A_123] : memref<3x!tpu.dma_semaphore, #tpu.memory_space<semaphore_mem>> -> memref<1x!tpu.dma_semaphore, #tpu.memory_space<semaphore_mem>>
    %dma_start3A_131 = tpu.memref_squeeze %dma_start3A_130 : memref<1x!tpu.dma_semaphore, #tpu.memory_space<semaphore_mem>> -> memref<!tpu.dma_semaphore, #tpu.memory_space<semaphore_mem>>
    %dma_start3A_132 = arith.constant 0 : i32
    %dma_start3A_133 = tpu.memref_slice %arg4[%add3A_121, %dma_start3A_132] : memref<32768x1024xf32, #tpu.memory_space<hbm>> -> memref<32x1024xf32, #tpu.memory_space<hbm>>
    %dma_start3A_134 = arith.constant 0 : i32
    %dma_start3A_135 = arith.constant 0 : i32
    %dma_start3A_136 = tpu.memref_slice %arg6[%dma_start3A_122, %dma_start3A_134, %dma_start3A_135] : memref<3x32x1024xf32, #tpu.memory_space<vmem>> -> memref<1x32x1024xf32, #tpu.memory_space<vmem>>
    %dma_start3A_137 = tpu.memref_squeeze %dma_start3A_136 : memref<1x32x1024xf32, #tpu.memory_space<vmem>> -> memref<32x1024xf32, #tpu.memory_space<vmem>>
    tpu.enqueue_dma source(%dma_start3A_137 : memref<32x1024xf32, #tpu.memory_space<vmem>>) target(%dma_start3A_133 : memref<32x1024xf32, #tpu.memory_space<hbm>>) target_semaphore(%dma_start3A_131 : memref<!tpu.dma_semaphore, #tpu.memory_space<semaphore_mem>>)
    %add3A_138 = arith.constant 992 : i32
    %add3A_139 = arith.addi %mul3A_2, %add3A_138 : i32
    %dma_wait3A_140 = arith.constant 1 : i32
    %dma_wait3A_141 = arith.constant 1 : i32
    %dma_wait3A_142 = arith.constant 0 : i32
    %dma_wait3A_143 = arith.constant 0 : i32
    %dma_wait3A_144 = tpu.memref_slice %arg6[%dma_wait3A_140, %dma_wait3A_142, %dma_wait3A_143] : memref<3x32x1024xf32, #tpu.memory_space<vmem>> -> memref<1x32x1024xf32, #tpu.memory_space<vmem>>
    %dma_wait3A_145 = tpu.memref_squeeze %dma_wait3A_144 : memref<1x32x1024xf32, #tpu.memory_space<vmem>> -> memref<32x1024xf32, #tpu.memory_space<vmem>>
    %dma_wait3A_146 = arith.constant 0 : i32
    %dma_wait3A_147 = tpu.memref_slice %arg4[%add3A_139, %dma_wait3A_146] : memref<32768x1024xf32, #tpu.memory_space<hbm>> -> memref<32x1024xf32, #tpu.memory_space<hbm>>
    %dma_wait3A_148 = tpu.memref_slice %arg8[%dma_wait3A_141] : memref<3x!tpu.dma_semaphore, #tpu.memory_space<semaphore_mem>> -> memref<1x!tpu.dma_semaphore, #tpu.memory_space<semaphore_mem>>
    %dma_wait3A_149 = tpu.memref_squeeze %dma_wait3A_148 : memref<1x!tpu.dma_semaphore, #tpu.memory_space<semaphore_mem>> -> memref<!tpu.dma_semaphore, #tpu.memory_space<semaphore_mem>>
    %dma_wait3A_150 = arith.constant 0 : i32
    %dma_wait3A_151 = tpu.memref_slice %arg4[%add3A_139, %dma_wait3A_150] : memref<32768x1024xf32, #tpu.memory_space<hbm>> -> memref<32x1024xf32, #tpu.memory_space<hbm>>
    %dma_wait3A_152 = arith.constant 0 : i32
    %dma_wait3A_153 = arith.constant 0 : i32
    %dma_wait3A_154 = tpu.memref_slice %arg6[%dma_wait3A_140, %dma_wait3A_152, %dma_wait3A_153] : memref<3x32x1024xf32, #tpu.memory_space<vmem>> -> memref<1x32x1024xf32, #tpu.memory_space<vmem>>
    %dma_wait3A_155 = tpu.memref_squeeze %dma_wait3A_154 : memref<1x32x1024xf32, #tpu.memory_space<vmem>> -> memref<32x1024xf32, #tpu.memory_space<vmem>>
    tpu.wait_dma2 semaphore(%dma_wait3A_149 : memref<!tpu.dma_semaphore, #tpu.memory_space<semaphore_mem>>) src(%dma_wait3A_155 : memref<32x1024xf32, #tpu.memory_space<vmem>>) dst(%dma_wait3A_151 : memref<32x1024xf32, #tpu.memory_space<hbm>>)
    return
  }
}

</mosaic_0001>

<sc_bundles>
// kernel: _gather_rows.3.cloned.1.call-start
scs
__scs_entry_jumppad:
0x0: {  	(pc) =	sbr.rel $0x88, $3  }
0x1: {  	(tag) =	ssettag $0x0;
	lr =	simm.s32 $0x1  }
0x2: {  	[smem:$0x3F9F] =	sst lr;
	_ =	strace $0xD0000000  }
0x3: {  	_ = 	snop  }
0x4: {  	_ = 	snop  }
0x5: {  	_ = 	snop  }
0x6: {  	_ = 	snop  }
0x7: {  	_ = 	snop  }
__scs_overlays_trampoline_lowered:
0x8: {  	[smem:$0x3FAE] =	sst s0  }
0x9: {  	[smem:$0x3FAF] =	sst s1  }
0xa: {  	[smem:$0x3FB0] =	sst s2  }
0xb: {  	[smem:$0x3FB1] =	sst s3  }
0xc: {  	[smem:$0x3FB2] =	sst s4  }
0xd: {  	[smem:$0x3FB3] =	sst s5  }
0xe: {  	[smem:$0x3FB4] =	sst s6  }
0xf: {  	[smem:$0x3FB5] =	sst s7  }
0x10: {  	[smem:$0x3FB6] =	sst s8  }
0x11: {  	[smem:$0x3FB7] =	sst s9;
	s0 =	simm.s32 @!p0 $0x0  }
0x12: {  	s1 =	sld [smem:$0x3F9D];
	s0 =	simm.s32 @p0 $0x1  }
0x13: {  	[smem:$0x3FB8] =	sst s0;
	s0 =	simm.s32 @!p1 $0x0  }
0x14: {  	s2 =	sld [smem:$0x3F9C];
	s0 =	simm.s32 @p1 $0x1  }
0x15: {  	[smem:$0x3FB9] =	sst s0;
	s0 =	simm.s32 @!p2 $0x0  }
0x16: {  	s3 =	sld [smem:$0x3FDB];
	s0 =	simm.s32 @p2 $0x1  }
0x17: {  	s4 =	simm.s32 $0x1BF5;
	[smem:$0x3FBB] =	sst s0  }
0x18: {  	s0 =	sld [smem:$0x3F9E];
	_ =	swait.ge [sflag:s4], $0x0  }
0x19: {  	s7 =	sld [smem:$0x3F9F]  }
0x1a: {  	s8 =	sadd.s32 $0xFFFFE003, lr  }
0x1b: {  	s9 =	sadd.s32 $0xFFFFFEF7, lr;
	s5 =	simm.s32 $0xFFFFFFFF;
	p2 =	slt.u32 s8, $0xFFFFF086  }
0x1c: {  	p1 =	slt.u32 s9, $0xF7A;
	s5 =	simm.s32 @!p2 $0x0  }
0x1d: {  	s5 =	simm.s32 @p1 $0x1;
	p0 =	seq.s32 s7, s2  }
0x1e: {  	s7 =	smul.u32 @!p0 $0xF7A, s2;
	p2 =	seq.s32 @!p0 s5, $0x0  }
0x1f: {  	s9 =	smul.u32 $0xF7A, s1;
	s8 =	simm.s32 @!p0 $0x1BF5;
	p2 =	por !p2, p0  }
0x20: {  	[sflag:s8] =	ssyncset.s32 @!p0 $0xFFFFF086;
	s6 =	sadd.s32 @!p0 s3, s7;
	s7 =	simm.s32 @!p0 $0x108  }
0x21: {  	s3 =	sadd.s32 s3, s9;
	s6 =	sadd.s32 @!p0 $0x88, s6;
	s7 =	simm.s32 @p2 $0x1082  }
0x22: {  	[simem:s7], [sflag:s8] =	dma.local @!p0 [hbm:s6], $0xF7A  }
0x23: {  	s9 =	sor.u32 $0xD0000000, s2;
	s6 =	simm.s32 $0x108;
	_ =	swait.ge @!p0 [sflag:s8], $0x0  }
0x24: {  	s3 =	sadd.s32 $0x88, s3;
	s6 =	simm.s32 @!p1 $0x1082;
	[sflag:s4] =	ssyncset.s32 $0xFFFFF086  }
0x25: {  	[simem:s6], [sflag:s4] =	dma.local [hbm:s3], $0xF7A  }
0x26: {  	[smem:$0x3F9F] =	sst s1;
	(tag) =	ssettag s2;
	_ =	strace s9  }
0x27: {  	s1 =	sld [smem:$0x3FAF]  }
0x28: {  	s2 =	sld [smem:$0x3FB0]  }
0x29: {  	s4 =	sld [smem:$0x3FB2]  }
0x2a: {  	p0 =	seq.s32 s5, $0x0;
	s5 =	sld [smem:$0x3FB3]  }
0x2b: {  	s6 =	sld [smem:$0x3FB4]  }
0x2c: {  	s7 =	sld [smem:$0x3FB5]  }
0x2d: {  	s3 =	simm.s32 $0x108;
	s8 =	sld [smem:$0x3FB6]  }
0x2e: {  	s3 =	simm.s32 @!p0 $0x1082;
	s9 =	sld [smem:$0x3FB7]  }
0x2f: {  	lr =	sadd.s32 s0, s3;
	s0 =	sld [smem:$0x3FAE]  }
0x30: {  	s3 =	sld [smem:$0x3FB1]  }
0x31: {  	[smem:$0x3FBA] =	sst s10  }
0x32: {  	s10 =	sld [smem:$0x3FB8];
	_ =	sdelay $0x3  }
0x33: {  	p0 =	seq.s32 s10, $0x1;
	s10 =	sld [smem:$0x3FBA];
	_ =	sdelay $0x3  }
0x34: {  	[smem:$0x3FBA] =	sst s10  }
0x35: {  	s10 =	sld [smem:$0x3FB9];
	_ =	sdelay $0x3  }
0x36: {  	p1 =	seq.s32 s10, $0x1;
	s10 =	sld [smem:$0x3FBA];
	_ =	sdelay $0x3  }
0x37: {  	[smem:$0x3FBA] =	sst s10  }
0x38: {  	s10 =	sld [smem:$0x3FBB]  }
0x39: {  	_ = 	snop;
	(pc) =	sbr.ind lr, $3  }
0x3a: {  	_ = 	snop  }
0x3b: {  	_ = 	snop  }
0x3c: {  	p2 =	seq.s32 s10, $0x1;
	s10 =	sld [smem:$0x3FBA]  }
0x3d: {  	_ =	shalt  }
0x3e: {  	_ =	shalt  }
0x3f: {  	_ =	shalt  }
0x40: {  	_ =	shalt  }
0x41: {  	_ =	shalt  }
0x42: {  	_ =	shalt  }
0x43: {  	_ =	shalt  }
0x44: {  	_ =	shalt  }
0x45: {  	_ =	shalt  }
0x46: {  	_ =	shalt  }
0x47: {  	_ =	shalt  }
0x48: {  	_ =	shalt  }
0x49: {  	_ =	shalt  }
0x4a: {  	_ =	shalt  }
0x4b: {  	_ =	shalt  }
0x4c: {  	_ =	shalt  }
0x4d: {  	_ =	shalt  }
0x4e: {  	_ =	shalt  }
0x4f: {  	_ =	shalt  }
0x50: {  	_ =	shalt  }
0x51: {  	_ =	shalt  }
0x52: {  	_ =	shalt  }
0x53: {  	_ =	shalt  }
0x54: {  	_ =	shalt  }
0x55: {  	_ =	shalt  }
0x56: {  	_ =	shalt  }
0x57: {  	_ =	shalt  }
0x58: {  	_ =	shalt  }
0x59: {  	_ =	shalt  }
0x5a: {  	_ =	shalt  }
0x5b: {  	_ =	shalt  }
0x5c: {  	_ =	shalt  }
0x5d: {  	_ =	shalt  }
0x5e: {  	_ =	shalt  }
0x5f: {  	_ =	shalt  }
0x60: {  	_ =	shalt  }
0x61: {  	_ =	shalt  }
0x62: {  	_ =	shalt  }
0x63: {  	_ =	shalt  }
0x64: {  	_ =	shalt  }
0x65: {  	_ =	shalt  }
0x66: {  	_ =	shalt  }
0x67: {  	_ =	shalt  }
0x68: {  	_ =	shalt  }
0x69: {  	_ =	shalt  }
0x6a: {  	_ =	shalt  }
0x6b: {  	_ =	shalt  }
0x6c: {  	_ =	shalt  }
0x6d: {  	_ =	shalt  }
0x6e: {  	_ =	shalt  }
0x6f: {  	_ =	shalt  }
0x70: {  	_ =	shalt  }
0x71: {  	_ =	shalt  }
0x72: {  	_ =	shalt  }
0x73: {  	_ =	shalt  }
0x74: {  	_ =	shalt  }
0x75: {  	_ =	shalt  }
0x76: {  	_ =	shalt  }
0x77: {  	_ =	shalt  }
0x78: {  	_ =	shalt  }
0x79: {  	_ =	shalt  }
0x7a: {  	_ =	shalt  }
0x7b: {  	_ =	shalt  }
0x7c: {  	_ =	shalt  }
0x7d: {  	_ =	shalt  }
0x7e: {  	_ =	shalt  }
0x7f: {  	_ =	shalt  }
0x80: {  	_ =	shalt  }
0x81: {  	_ =	shalt  }
0x82: {  	_ =	shalt  }
0x83: {  	_ =	shalt  }
0x84: {  	_ =	shalt  }
0x85: {  	_ =	shalt  }
0x86: {  	_ =	shalt  }
0x87: {  	_ =	shalt  }
.Lfunc_end0:
.L_simem_size_0:
called_computation_lowered:
.L_overlay_start_0:
0x88: {  	s2 =	sld [smem:$0x3FD9]  }
0x89: {  	s3 =	sld [smem:$0x3FFE];
	_ =	sdelay $0x1  }
0x8a: {  	s1 =	srdreg.scid  }
0x8b: {  	s0 =	sand.u32 $0x1, s1  }
0x8c: {  	s18 =	sshll.u32 s0, $0xA;
	s2 =	sadd.s32 s3, s2  }
0x8d: {  	s2 =	sadd.s32 s2, s18  }
0x8e: {  	[smem:$0x3FC6] =	sst s2  }
0x8f: {  	_ = 	snop  }
0x90: {  	s2 =	sld [smem:$0x3FC9]  }
0x91: {  	s19 =	sld [smem:$0x3FC8]  }
0x92: {  	s4 =	sld [smem:$0x3FD0];
	(tm) =	ssettm $0x1  }
0x93: {  	s5 =	sld [smem:$0x3FFB];
	_ =	sdelay $0x3  }
0x94: {  	_ =	strace s5  }
0x95: {  	s5 =	sld [smem:$0x3FFC];
	_ =	sdelay $0x3  }
0x96: {  	_ =	strace s5  }
0x97: {  	s5 =	sld [smem:$0x3FFD];
	_ =	sdelay $0x3  }
0x98: {  	_ =	strace s5  }
0x99: {  	_ =	strace $0x8FFFFFFF  }
0x9a: {  	s20 =	sld [smem:$0x3FDB];
	_ =	sdelay $0x1  }
0x9b: {  	s6 =	simm.s32 $_scs_section_size  }
0x9c: {  	s7 =	simm.s32 $_size__tile_overlayer_lowered;
	s8 =	simm.s32 $_tile_overlayer_lowered  }
0x9d: {  	s23 =	simm.s32 $0x1BFF;
	s22 =	sshll.u32 s8, $0x1;
	s5 =	sadd.s32 s6, s20  }
0x9e: {  	s9 =	simm.s32 $0x0;
	s21 =	sshll.u32 s7, $0x1;
	s7 =	sadd.s32 s22, s5  }
0x9f: {  	[timem:s9], [sflag:s23] =	dma.local [hbm:s7], s21  }
0xa0: {  	_ =	swait.ge [sflag:s23], s21  }
0xa1: {  	s6 =	ssub.s32 $0x0, s21;
	[sflag:s23] =	ssyncset.done $0x0  }
0xa2: {  	[sflag:s23] =	ssyncadd.s32 s6;
	_ =	sdelay $0x1  }
0xa3: {  	s24 =	simm.s32 $0x1B8B  }
0xa4: {  	_ =	swait.ge [sflag:s24], $0x1  }
0xa5: {  	[sflag:s24] =	ssyncset.done $0x0  }
0xa6: {  	s25 =	simm.s32 $0x1B8E;
	[sflag:s24] =	ssyncadd.s32 $0xFFFFFFFF  }
0xa7: {  	s26 =	simm.s32 $execute0_lowered;
	[smem:$0x3FD2] =	sst s25  }
0xa8: {  	s6 =	sshll.u32 s26, $0x1;
	_ =	strace $0x80000046;
	[dreg:$0x1] =	wrdreg $0xFFFFFFFF  }
0xa9: {  	s28 =	simm.s32 $_size_execute0_lowered;
	s5 =	sadd.s32 s5, s6;
	[dreg:$0x0] =	wrdreg $0x0  }
0xaa: {  	s6 =	sshll.u32 s28, $0x1;
	[dreg:$0x2] =	wrdreg s5  }
0xab: {  	[dreg:$0x3] =	wrdreg s6  }
0xac: {  	[dreg:$0x4] =	wrdreg $0xC0  }
0xad: {  	_ =	task [dreg:s9], $0x5FFFF  }
0xae: {  	[dreg:$0x1] =	wrdreg $0xFFFFFFFF  }
0xaf: {  	[dreg:$0x0] =	wrdreg $0x60  }
0xb0: {  	[dreg:$0x2] =	wrdreg s2  }
0xb1: {  	[dreg:$0x3] =	wrdreg s19  }
0xb2: {  	[dreg:$0x4] =	wrdreg s4  }
0xb3: {  	[dreg:$0x5] =	wrdreg $0x9  }
0xb4: {  	_ =	task.clear_ibuf [dreg:s9], $0x6FFFF;
	_ =	strace $0x90000046  }
0xb5: {  	s29 =	simm.s32 $0x9;
	_ =	strace $0x80000048  }
0xb6: {  	_ =	swait.ge [sflag:s29], $0x1  }
0xb7: {  	[sflag:s29] =	ssyncadd.s32 $0xFFFFFFFF  }
0xb8: {  	_ =	strace $0x90000048  }
0xb9: {  	_ =	sfence  }
0xba: {  	s30 =	sld [smem:$0x0];
	_ =	sdelay $0x2  }
0xbb: {  	s31 =	sshll.u32 s1, $0xD;
	s1 =	sshrl.u32 s1, $0x2  }
0xbc: {  	s3 =	sand.u32 $0x4000, s31;
	s1 =	sadd.s32 s1, s30  }
0xbd: {  	s0 =	sor.u32 s3, s0;
	s1 =	sshll.u32 s1, $0x11  }
0xbe: {  	s0 =	sor.u32 s1, s0  }
0xbf: {  	s0 =	sadd.s32 $0x8F2B, s0  }
0xc0: {  	[sflag:s0] =	ssyncadd.remote.s32 $0x1  }
0xc1: {  	_ =	sfence.sel $0xFFFF  }
0xc2: {  	[dreg:$0x0] =	wrdreg $0xFFFFFFFF;
	(pc) =	sbr.abs _section_cstart, $3  }
0xc3: {  	[dreg:$0x1] =	wrdreg $0xFFFFFFFF  }
0xc4: {  	_ =	task.clear_ibuf [dreg:s9], $0x2FFFF;
	_ =	strace $0x9FFFFFFF  }
0xc5: {  	(tm) =	ssettm $0x7FFFFFFF  }
tec
execute0_lowered:
.L_overlay_start_1:
0x0: {  	(tag) =	ssettag $0x1  }
0x1: {  	s2 =	rddreg [dreg:$0x0]  }
0x2: {  	s0 =	rddreg [dreg:$0x1]  }
0x3: {  	s1 =	rddreg [dreg:$0x2]  }
0x4: {  	s3 =	srdreg.scid;
	s10 =	stileid.u32;
	s11 =	simm.s32 $0x12000  }
0x5: {  	s13 =	simm.s32 $0x12800;
	s14 =	simm.s32 $0x13000;
	s15 =	simm.s32 $0x13800  }
0x6: {  	s4 =	sand.u32 $0x1, s3;
	s5 =	sshll.u32 s10, $0x1;
	s3 =	simm.s32 $0x0  }
0x7: {  	s25 =	sshll.u32 s10, $0x12;
	s10 =	simm.s32 $0x11800;
	[smem:$0x7FF] =	sst s3  }
0x8: {  	s16 =	simm.s32 $0x14000;
	_ =	strace $0x80000047;
	[dreg:$0x5] =	wrdreg s10  }
0x9: {  	s28 =	simm.s32 $0x2000;
	s17 =	simm.s32 $0x14800;
	[dreg:$0x6] =	wrdreg s11  }
0xa: {  	s18 =	simm.s32 $0x15000;
	s19 =	simm.s32 $0x15800;
	[dreg:$0x7] =	wrdreg s13  }
0xb: {  	s20 =	simm.s32 $0x16000;
	s21 =	simm.s32 $0x16800;
	[dreg:$0x8] =	wrdreg s14  }
0xc: {  	s22 =	simm.s32 $0x17000;
	s23 =	simm.s32 $0x17800;
	[dreg:$0x9] =	wrdreg s15  }
0xd: {  	s29 =	simm.s32 $0x9000;
	s30 =	simm.s32 $0x9800;
	[dreg:$0xa] =	wrdreg s16  }
0xe: {  	s31 =	simm.s32 $0xA000;
	s6 =	ssub.s32 $0x2, s4;
	[dreg:$0xb] =	wrdreg s17  }
0xf: {  	s7 =	sor.u32 s4, s5;
	s5 =	sadd.s32 $0x100, s2;
	[dreg:$0xc] =	wrdreg s18  }
0x10: {  	s4 =	sshll.u32 s4, $0x11;
	s24 =	sshrl.u32 s6, $0x1;
	[dreg:$0xd] =	wrdreg s19  }
0x11: {  	s8 =	sshll.u32 s7, $0x9;
	s26 =	sshll.u32 s7, $0x11;
	[dreg:$0xe] =	wrdreg s20  }
0x12: {  	s7 =	sadd.s32 $0x300, s2;
	s10 =	simm.s32 $0x4800;
	[dreg:$0xf] =	wrdreg s21  }
0x13: {  	s11 =	simm.s32 $0x5000;
	[dreg:$0x10] =	wrdreg s22;
	s13 =	simm.s32 $0x5800  }
0x14: {  	[dreg:$0x11] =	wrdreg s23;
	s14 =	simm.s32 $0x6000;
	s15 =	simm.s32 $0x6800  }
0x15: {  	s16 =	simm.s32 $0x7000;
	s17 =	simm.s32 $0x8000;
	s18 =	simm.s32 $0x8800  }
0x16: {  	s19 =	simm.s32 $0x11000;
	s20 =	simm.s32 $0x1;
	s21 =	simm.s32 $0x4  }
0x17: {  	s22 =	simm.s32 $0x2;
	s23 =	simm.s32 $0x5;
	s9 =	ssub.s32 s6, s24  }
0x18: {  	s0 =	sadd.s32 s0, s8;
	s6 =	sadd.s32 $0x200, s2;
	s24 =	simm.s32 $0x18000  }
0x19: {  	[dreg:$0x14] =	wrdreg s0;
	s0 =	sadd.s32 s25, s1;
	s1 =	sadd.s32 s26, s1  }
0x1a: {  	s12 =	smax.u32 s9, $0x1;
	s26 =	simm.s32 $0x1800;
	[dreg:$0x12] =	wrdreg s24  }
0x1b: {  	s9 =	simm.s32 $0x4000;
	s25 =	simm.s32 $0x18800;
	[dreg:$0x17] =	wrdreg s12  }
0x1c: {  	s24 =	simm.s32 $0x3;
	s8 =	sadd.s32 $0x1E000, s1;
	[dreg:$0x13] =	wrdreg s25  }
0x1d: {  	s0 =	sadd.s32 s4, s0;
	s1 =	sadd.s32 $0x1F000, s1;
	[dreg:$0x15] =	wrdreg s8  }
0x1e: {  	v2 =	vlaneseq.u32;
	s12 =	simm.s32 $0x1000;
	s4 =	simm.s32 $0x3000;
	[dreg:$0x4] =	wrdreg s0  }
0x1f: {  	vm0 =	vmmov $0xffff;
	v1 =	vshrl.u32 v2, $0x3;
	s25 =	simm.s32 $0x0;
	[dreg:$0x16] =	wrdreg s1;
	s1 =	simm.s32 $0x2800  }
0x20: {  	v0 =	vand.u32 $0x7, v2;
	v2 =	vor.u32 $0x8, v2;
	v1 =	vmul.u32 $0x8, v1;
	s8 =	simm.s32 $0x3800;
	s0 =	simm.s32 $0x7800;
	[dreg:$0x18] =	wrdreg s25  }
.LBB2_1:
0x21: {  	s25 =	rddreg [dreg:$0x14]  }
0x22: {  	[tilespmem:s3], [sflag:$0x7] =	stream.linear.gather [hbm4b:s25+s3], $0x1000, $0x38;
	[tilespmem:$0x19000] =	vst v63  }
0x23: {  	s25 =	simm.s32 $0x7  }
0x24: {  	_ =	swait.ge [sflag:s25], $0x1000  }
0x25: {  	[sflag:s25] =	ssyncset.done $0x0  }
0x26: {  	[sflag:s25] =	ssyncadd.s32 $0xFFFFF000  }
0x27: {  	v3 =	vld [tilespmem:$0x0];
	_ =	sdelay $0x4  }
0x28: {  	v4 =	vshll.u32 v3, $0x3  }
0x29: {  	v3 =	vand.u32 $0x7, v3;
	v4 =	vand.u32 $0xFFFFFFC0, v4  }
0x2a: {  	v3 =	vor.u32 v3, v4  }
0x2b: {  	v4 =	vperm.xlane v3, v0;
	_ =	sdelay $0x1  }
0x2c: {  	v4 =	vadd.s32 v1, v4;
	_ =	sdelay $0x4  }
0x2d: {  	[tilespmem:s12], [sflag:$0x1] =	stream.indirect_vreg.gather [hbm4b:s2+s3], $0x80, v4, vm0, $0xb8;
	[tilespmem:$0x19000] =	vst v63  }
0x2e: {  	v3 =	vperm.xlane v3, v2  }
0x2f: {  	[tilespmem:s26], [sflag:$0x1] =	stream.indirect_vreg.gather [hbm4b:s5+s3], $0x80, v4, vm0, $0xb8;
	[tilespmem:$0x19000] =	vst v63  }
0x30: {  	v3 =	vadd.s32 v1, v3  }
0x31: {  	[tilespmem:s28], [sflag:$0x1] =	stream.indirect_vreg.gather [hbm4b:s6+s3], $0x80, v4, vm0, $0xb8;
	[tilespmem:$0x19000] =	vst v63  }
0x32: {  	_ = 	snop  }
0x33: {  	[tilespmem:s1], [sflag:$0x1] =	stream.indirect_vreg.gather [hbm4b:s7+s3], $0x80, v4, vm0, $0xb8;
	[tilespmem:$0x19000] =	vst v63  }
0x34: {  	_ = 	snop  }
0x35: {  	[tilespmem:s4], [sflag:$0x1] =	stream.indirect_vreg.gather [hbm4b:s2+s3], $0x80, v3, vm0, $0xb8;
	[tilespmem:$0x19000] =	vst v63  }
0x36: {  	_ = 	snop  }
0x37: {  	[tilespmem:s8], [sflag:$0x1] =	stream.indirect_vreg.gather [hbm4b:s5+s3], $0x80, v3, vm0, $0xb8;
	[tilespmem:$0x19000] =	vst v63  }
0x38: {  	_ = 	snop  }
0x39: {  	[tilespmem:s9], [sflag:$0x1] =	stream.indirect_vreg.gather [hbm4b:s6+s3], $0x80, v3, vm0, $0xb8;
	[tilespmem:$0x19000] =	vst v63  }
0x3a: {  	_ = 	snop  }
0x3b: {  	[tilespmem:s10], [sflag:$0x1] =	stream.indirect_vreg.gather [hbm4b:s7+s3], $0x80, v3, vm0, $0xb8;
	[tilespmem:$0x19000] =	vst v63  }
0x3c: {  	v3 =	vld [tilespmem:$0x10];
	_ =	sdelay $0x4  }
0x3d: {  	v61 =	vshll.u32 v3, $0x3  }
0x3e: {  	v3 =	vand.u32 $0x7, v3;
	v4 =	vand.u32 $0xFFFFFFC0, v61  }
0x3f: {  	v3 =	vor.u32 v3, v4  }
0x40: {  	v4 =	vperm.xlane v3, v0;
	_ =	sdelay $0x1  }
0x41: {  	v4 =	vadd.s32 v1, v4;
	_ =	sdelay $0x4  }
0x42: {  	[tilespmem:s11], [sflag:$0x1] =	stream.indirect_vreg.gather [hbm4b:s2+s3], $0x80, v4, vm0, $0xb8;
	[tilespmem:$0x19000] =	vst v63  }
0x43: {  	v3 =	vperm.xlane v3, v2  }
0x44: {  	[tilespmem:s13], [sflag:$0x1] =	stream.indirect_vreg.gather [hbm4b:s5+s3], $0x80, v4, vm0, $0xb8;
	[tilespmem:$0x19000] =	vst v63  }
0x45: {  	v3 =	vadd.s32 v1, v3  }
0x46: {  	[tilespmem:s14], [sflag:$0x1] =	stream.indirect_vreg.gather [hbm4b:s6+s3], $0x80, v4, vm0, $0xb8;
	[tilespmem:$0x19000] =	vst v63  }
0x47: {  	_ = 	snop  }
0x48: {  	[tilespmem:s15], [sflag:$0x1] =	stream.indirect_vreg.gather [hbm4b:s7+s3], $0x80, v4, vm0, $0xb8;
	[tilespmem:$0x19000] =	vst v63  }
0x49: {  	_ = 	snop  }
0x4a: {  	[tilespmem:s16], [sflag:$0x1] =	stream.indirect_vreg.gather [hbm4b:s2+s3], $0x80, v3, vm0, $0xb8;
	[tilespmem:$0x19000] =	vst v63  }
0x4b: {  	_ = 	snop  }
0x4c: {  	[tilespmem:s0], [sflag:$0x1] =	stream.indirect_vreg.gather [hbm4b:s5+s3], $0x80, v3, vm0, $0xb8;
	[tilespmem:$0x19000] =	vst v63  }
0x4d: {  	_ = 	snop  }
0x4e: {  	[tilespmem:s17], [sflag:$0x1] =	stream.indirect_vreg.gather [hbm4b:s6+s3], $0x80, v3, vm0, $0xb8;
	[tilespmem:$0x19000] =	vst v63  }
0x4f: {  	_ = 	snop  }
0x50: {  	[tilespmem:s18], [sflag:$0x1] =	stream.indirect_vreg.gather [hbm4b:s7+s3], $0x80, v3, vm0, $0xb8;
	[tilespmem:$0x19000] =	vst v63  }
0x51: {  	v3 =	vld [tilespmem:$0x80];
	_ =	sdelay $0x4  }
0x52: {  	v62 =	vshll.u32 v3, $0x3  }
0x53: {  	v3 =	vand.u32 $0x7, v3;
	v4 =	vand.u32 $0xFFFFFFC0, v62  }
0x54: {  	v3 =	vor.u32 v3, v4  }
0x55: {  	v4 =	vperm.xlane v3, v0;
	_ =	sdelay $0x1  }
0x56: {  	v4 =	vadd.s32 v1, v4;
	_ =	sdelay $0x4  }
0x57: {  	[tilespmem:s29], [sflag:$0x2] =	stream.indirect_vreg.gather [hbm4b:s2+s3], $0x80, v4, vm0, $0xb8;
	[tilespmem:$0x19000] =	vst v63  }
0x58: {  	v3 =	vperm.xlane v3, v2  }
0x59: {  	[tilespmem:s30], [sflag:$0x2] =	stream.indirect_vreg.gather [hbm4b:s5+s3], $0x80, v4, vm0, $0xb8;
	[tilespmem:$0x19000] =	vst v63  }
0x5a: {  	v3 =	vadd.s32 v1, v3  }
0x5b: {  	[tilespmem:s31], [sflag:$0x2] =	stream.indirect_vreg.gather [hbm4b:s6+s3], $0x80, v4, vm0, $0xb8;
	[tilespmem:$0x19000] =	vst v63  }
0x5c: {  	s13 =	simm.s32 $0xA800  }
0x5d: {  	[tilespmem:s13], [sflag:$0x2] =	stream.indirect_vreg.gather [hbm4b:s7+s3], $0x80, v4, vm0, $0xb8;
	[tilespmem:$0x19000] =	vst v63  }
0x5e: {  	s14 =	simm.s32 $0xB000  }
0x5f: {  	[tilespmem:s14], [sflag:$0x2] =	stream.indirect_vreg.gather [hbm4b:s2+s3], $0x80, v3, vm0, $0xb8;
	[tilespmem:$0x19000] =	vst v63  }
0x60: {  	s15 =	simm.s32 $0xB800  }
0x61: {  	[tilespmem:s15], [sflag:$0x2] =	stream.indirect_vreg.gather [hbm4b:s5+s3], $0x80, v3, vm0, $0xb8;
	[tilespmem:$0x19000] =	vst v63  }
0x62: {  	s16 =	simm.s32 $0xC000  }
0x63: {  	[tilespmem:s16], [sflag:$0x2] =	stream.indirect_vreg.gather [hbm4b:s6+s3], $0x80, v3, vm0, $0xb8;
	[tilespmem:$0x19000] =	vst v63  }
0x64: {  	s17 =	simm.s32 $0xC800  }
0x65: {  	[tilespmem:s17], [sflag:$0x2] =	stream.indirect_vreg.gather [hbm4b:s7+s3], $0x80, v3, vm0, $0xb8;
	[tilespmem:$0x19000] =	vst v63  }
0x66: {  	v3 =	vld [tilespmem:$0x90];
	_ =	sdelay $0x4  }
0x67: {  	v63 =	vshll.u32 v3, $0x3  }
0x68: {  	v3 =	vand.u32 $0x7, v3;
	v4 =	vand.u32 $0xFFFFFFC0, v63  }
0x69: {  	v3 =	vor.u32 v3, v4  }
0x6a: {  	v4 =	vperm.xlane v3, v0;
	_ =	sdelay $0x1  }
0x6b: {  	v4 =	vadd.s32 v1, v4;
	_ =	sdelay $0x3  }
0x6c: {  	s18 =	simm.s32 $0xD000  }
0x6d: {  	[tilespmem:s18], [sflag:$0x2] =	stream.indirect_vreg.gather [hbm4b:s2+s3], $0x80, v4, vm0, $0xb8;
	[tilespmem:$0x19000] =	vst v63  }
0x6e: {  	s25 =	simm.s32 $0xD800;
	v3 =	vperm.xlane v3, v2  }
0x6f: {  	[tilespmem:s25], [sflag:$0x2] =	stream.indirect_vreg.gather [hbm4b:s5+s3], $0x80, v4, vm0, $0xb8;
	[tilespmem:$0x19000] =	vst v63  }
0x70: {  	s26 =	simm.s32 $0xE000;
	s28 =	simm.s32 $0xE800;
	s1 =	simm.s32 $0x2800;
	v3 =	vadd.s32 v1, v3  }
0x71: {  	[tilespmem:s26], [sflag:$0x2] =	stream.indirect_vreg.gather [hbm4b:s6+s3], $0x80, v4, vm0, $0xb8;
	[tilespmem:$0x19000] =	vst v63  }
0x72: {  	s4 =	simm.s32 $0x3000;
	s8 =	simm.s32 $0x3800;
	s9 =	simm.s32 $0x4000  }
0x73: {  	[tilespmem:s28], [sflag:$0x2] =	stream.indirect_vreg.gather [hbm4b:s7+s3], $0x80, v4, vm0, $0xb8;
	[tilespmem:$0x19000] =	vst v63  }
0x74: {  	s10 =	simm.s32 $0x4800;
	s11 =	simm.s32 $0x5000;
	s30 =	simm.s32 $0xF000  }
0x75: {  	[tilespmem:s30], [sflag:$0x2] =	stream.indirect_vreg.gather [hbm4b:s2+s3], $0x80, v3, vm0, $0xb8;
	[tilespmem:$0x19000] =	vst v63  }
0x76: {  	s0 =	simm.s32 $0x10000;
	s31 =	simm.s32 $0xF800;
	s13 =	simm.s32 $0x5800  }
0x77: {  	[tilespmem:s31], [sflag:$0x2] =	stream.indirect_vreg.gather [hbm4b:s5+s3], $0x80, v3, vm0, $0xb8;
	[tilespmem:$0x19000] =	vst v63  }
0x78: {  	s14 =	simm.s32 $0x6000;
	s15 =	simm.s32 $0x6800;
	s16 =	simm.s32 $0x7000  }
0x79: {  	[tilespmem:s0], [sflag:$0x2] =	stream.indirect_vreg.gather [hbm4b:s6+s3], $0x80, v3, vm0, $0xb8;
	[tilespmem:$0x19000] =	vst v63  }
0x7a: {  	s17 =	simm.s32 $0x10800;
	s25 =	simm.s32 $0x210;
	s26 =	simm.s32 $0x0  }
0x7b: {  	[tilespmem:s17], [sflag:$0x2] =	stream.indirect_vreg.gather [hbm4b:s7+s3], $0x80, v3, vm0, $0xb8;
	[tilespmem:$0x19000] =	vst v63  }
.LBB2_2:
0x7c: {  	p0 =	seq.s32 s26, $0x0  }
0x7d: {  	s28 =	simm.s32 @!p0 $0x6  }
0x7e: {  	_ =	swait.ge @!p0 [sflag:s28], $0x8000  }
0x7f: {  	[sflag:s28] =	ssyncset.done @!p0 $0x0  }
0x80: {  	[sflag:s28] =	ssyncadd.s32 @!p0 $0xFFFF8000  }
0x81: {  	v3 =	vld [tilespmem:s25+$0xFFFFFEF0];
	_ =	sdelay $0x4  }
0x82: {  	v4 =	vshll.u32 v3, $0x3  }
0x83: {  	v3 =	vand.u32 $0x7, v3;
	v4 =	vand.u32 $0xFFFFFFC0, v4  }
0x84: {  	v3 =	vor.u32 v3, v4  }
0x85: {  	v4 =	vperm.xlane v3, v0;
	_ =	sdelay $0x1  }
0x86: {  	v4 =	vadd.s32 v1, v4;
	_ =	sdelay $0x4  }
0x87: {  	[tilespmem:s19], [sflag:$0x3] =	stream.indirect_vreg.gather [hbm4b:s2+s3], $0x80, v4, vm0, $0xb8;
	[tilespmem:$0x19000] =	vst v63  }
0x88: {  	s18 =	rddreg [dreg:$0x5];
	v3 =	vperm.xlane v3, v2  }
0x89: {  	[tilespmem:s18], [sflag:$0x3] =	stream.indirect_vreg.gather [hbm4b:s5+s3], $0x80, v4, vm0, $0xb8;
	[tilespmem:$0x19000] =	vst v63  }
0x8a: {  	s30 =	rddreg [dreg:$0x6];
	v3 =	vadd.s32 v1, v3  }
0x8b: {  	[tilespmem:s30], [sflag:$0x3] =	stream.indirect_vreg.gather [hbm4b:s6+s3], $0x80, v4, vm0, $0xb8;
	[tilespmem:$0x19000] =	vst v63  }
0x8c: {  	s18 =	rddreg [dreg:$0x7]  }
0x8d: {  	[tilespmem:s18], [sflag:$0x3] =	stream.indirect_vreg.gather [hbm4b:s7+s3], $0x80, v4, vm0, $0xb8;
	[tilespmem:$0x19000] =	vst v63  }
0x8e: {  	s30 =	rddreg [dreg:$0x8]  }
0x8f: {  	[tilespmem:s30], [sflag:$0x3] =	stream.indirect_vreg.gather [hbm4b:s2+s3], $0x80, v3, vm0, $0xb8;
	[tilespmem:$0x19000] =	vst v63  }
0x90: {  	s18 =	rddreg [dreg:$0x9]  }
0x91: {  	[tilespmem:s18], [sflag:$0x3] =	stream.indirect_vreg.gather [hbm4b:s5+s3], $0x80, v3, vm0, $0xb8;
	[tilespmem:$0x19000] =	vst v63  }
0x92: {  	s30 =	rddreg [dreg:$0xa]  }
0x93: {  	[tilespmem:s30], [sflag:$0x3] =	stream.indirect_vreg.gather [hbm4b:s6+s3], $0x80, v3, vm0, $0xb8;
	[tilespmem:$0x19000] =	vst v63  }
0x94: {  	s18 =	rddreg [dreg:$0xb]  }
0x95: {  	[tilespmem:s18], [sflag:$0x3] =	stream.indirect_vreg.gather [hbm4b:s7+s3], $0x80, v3, vm0, $0xb8;
	[tilespmem:$0x19000] =	vst v63  }
0x96: {  	v3 =	vld [tilespmem:s25+$0xFFFFFF00];
	_ =	sdelay $0x4  }
0x97: {  	v59 =	vshll.u32 v3, $0x3  }
0x98: {  	v3 =	vand.u32 $0x7, v3;
	v4 =	vand.u32 $0xFFFFFFC0, v59  }
0x99: {  	v3 =	vor.u32 v3, v4  }
0x9a: {  	v4 =	vperm.xlane v3, v0;
	_ =	sdelay $0x1  }
0x9b: {  	v4 =	vadd.s32 v1, v4;
	_ =	sdelay $0x3  }
0x9c: {  	s18 =	rddreg [dreg:$0xc]  }
0x9d: {  	[tilespmem:s18], [sflag:$0x3] =	stream.indirect_vreg.gather [hbm4b:s2+s3], $0x80, v4, vm0, $0xb8;
	[tilespmem:$0x19000] =	vst v63  }
0x9e: {  	s30 =	rddreg [dreg:$0xd];
	v3 =	vperm.xlane v3, v2  }
0x9f: {  	[tilespmem:s30], [sflag:$0x3] =	stream.indirect_vreg.gather [hbm4b:s5+s3], $0x80, v4, vm0, $0xb8;
	[tilespmem:$0x19000] =	vst v63  }
0xa0: {  	v3 =	vadd.s32 v1, v3;
	s18 =	rddreg [dreg:$0xe]  }
0xa1: {  	[tilespmem:s18], [sflag:$0x3] =	stream.indirect_vreg.gather [hbm4b:s6+s3], $0x80, v4, vm0, $0xb8;
	[tilespmem:$0x19000] =	vst v63  }
0xa2: {  	s30 =	rddreg [dreg:$0xf]  }
0xa3: {  	[tilespmem:s30], [sflag:$0x3] =	stream.indirect_vreg.gather [hbm4b:s7+s3], $0x80, v4, vm0, $0xb8;
	[tilespmem:$0x19000] =	vst v63  }
0xa4: {  	s18 =	rddreg [dreg:$0x10]  }
0xa5: {  	[tilespmem:s18], [sflag:$0x3] =	stream.indirect_vreg.gather [hbm4b:s2+s3], $0x80, v3, vm0, $0xb8;
	[tilespmem:$0x19000] =	vst v63  }
0xa6: {  	s30 =	rddreg [dreg:$0x11]  }
0xa7: {  	[tilespmem:s30], [sflag:$0x3] =	stream.indirect_vreg.gather [hbm4b:s5+s3], $0x80, v3, vm0, $0xb8;
	[tilespmem:$0x19000] =	vst v63  }
0xa8: {  	s18 =	rddreg [dreg:$0x12]  }
0xa9: {  	[tilespmem:s18], [sflag:$0x3] =	stream.indirect_vreg.gather [hbm4b:s6+s3], $0x80, v3, vm0, $0xb8;
	[tilespmem:$0x19000] =	vst v63  }
0xaa: {  	s30 =	rddreg [dreg:$0x13]  }
0xab: {  	[tilespmem:s30], [sflag:$0x3] =	stream.indirect_vreg.gather [hbm4b:s7+s3], $0x80, v3, vm0, $0xb8;
	[tilespmem:$0x19000] =	vst v63  }
0xac: {  	_ =	swait.ge [sflag:s20], $0x8000  }
0xad: {  	s18 =	rddreg [dreg:$0x4];
	[sflag:s20] =	ssyncset.done $0x0  }
0xae: {  	[sflag:s20] =	ssyncadd.s32 $0xFFFF8000;
	s28 =	sadd.s32 s26, s18  }
0xaf: {  	[hbm4b:s28+s3] =	stream.linear.scatter [tilespmem:s12], [sflag:$0x4], $0x8000, $0x38;
	[tilespmem:$0x19000] =	vst v63  }
0xb0: {  	_ =	swait.ge [sflag:s21], $0x8000  }
0xb1: {  	[sflag:s21] =	ssyncset.done $0x0  }
0xb2: {  	[sflag:s21] =	ssyncadd.s32 $0xFFFF8000  }
0xb3: {  	v3 =	vld [tilespmem:s25+$0xFFFFFF70];
	_ =	sdelay $0x4  }
0xb4: {  	v60 =	vshll.u32 v3, $0x3  }
0xb5: {  	v3 =	vand.u32 $0x7, v3;
	v4 =	vand.u32 $0xFFFFFFC0, v60  }
0xb6: {  	v3 =	vor.u32 v3, v4  }
0xb7: {  	v4 =	vperm.xlane v3, v0;
	_ =	sdelay $0x1  }
0xb8: {  	v4 =	vadd.s32 v1, v4;
	_ =	sdelay $0x4  }
0xb9: {  	[tilespmem:s12], [sflag:$0x1] =	stream.indirect_vreg.gather [hbm4b:s2+s3], $0x80, v4, vm0, $0xb8;
	[tilespmem:$0x19000] =	vst v63  }
0xba: {  	s18 =	simm.s32 $0x1800;
	v3 =	vperm.xlane v3, v2  }
0xbb: {  	[tilespmem:s18], [sflag:$0x1] =	stream.indirect_vreg.gather [hbm4b:s5+s3], $0x80, v4, vm0, $0xb8;
	[tilespmem:$0x19000] =	vst v63  }
0xbc: {  	v3 =	vadd.s32 v1, v3;
	s18 =	simm.s32 $0x2000  }
0xbd: {  	[tilespmem:s18], [sflag:$0x1] =	stream.indirect_vreg.gather [hbm4b:s6+s3], $0x80, v4, vm0, $0xb8;
	[tilespmem:$0x19000] =	vst v63  }
0xbe: {  	_ = 	snop  }
0xbf: {  	[tilespmem:s1], [sflag:$0x1] =	stream.indirect_vreg.gather [hbm4b:s7+s3], $0x80, v4, vm0, $0xb8;
	[tilespmem:$0x19000] =	vst v63  }
0xc0: {  	_ = 	snop  }
0xc1: {  	[tilespmem:s4], [sflag:$0x1] =	stream.indirect_vreg.gather [hbm4b:s2+s3], $0x80, v3, vm0, $0xb8;
	[tilespmem:$0x19000] =	vst v63  }
0xc2: {  	_ = 	snop  }
0xc3: {  	[tilespmem:s8], [sflag:$0x1] =	stream.indirect_vreg.gather [hbm4b:s5+s3], $0x80, v3, vm0, $0xb8;
	[tilespmem:$0x19000] =	vst v63  }
0xc4: {  	_ = 	snop  }
0xc5: {  	[tilespmem:s9], [sflag:$0x1] =	stream.indirect_vreg.gather [hbm4b:s6+s3], $0x80, v3, vm0, $0xb8;
	[tilespmem:$0x19000] =	vst v63  }
0xc6: {  	_ = 	snop  }
0xc7: {  	[tilespmem:s10], [sflag:$0x1] =	stream.indirect_vreg.gather [hbm4b:s7+s3], $0x80, v3, vm0, $0xb8;
	[tilespmem:$0x19000] =	vst v63  }
0xc8: {  	v3 =	vld [tilespmem:s25+$0xFFFFFF80];
	_ =	sdelay $0x4  }
0xc9: {  	v61 =	vshll.u32 v3, $0x3  }
0xca: {  	v3 =	vand.u32 $0x7, v3;
	v4 =	vand.u32 $0xFFFFFFC0, v61  }
0xcb: {  	v3 =	vor.u32 v3, v4  }
0xcc: {  	v4 =	vperm.xlane v3, v0;
	_ =	sdelay $0x1  }
0xcd: {  	v4 =	vadd.s32 v1, v4;
	_ =	sdelay $0x4  }
0xce: {  	[tilespmem:s11], [sflag:$0x1] =	stream.indirect_vreg.gather [hbm4b:s2+s3], $0x80, v4, vm0, $0xb8;
	[tilespmem:$0x19000] =	vst v63  }
0xcf: {  	v3 =	vperm.xlane v3, v2  }
0xd0: {  	[tilespmem:s13], [sflag:$0x1] =	stream.indirect_vreg.gather [hbm4b:s5+s3], $0x80, v4, vm0, $0xb8;
	[tilespmem:$0x19000] =	vst v63  }
0xd1: {  	v3 =	vadd.s32 v1, v3  }
0xd2: {  	[tilespmem:s14], [sflag:$0x1] =	stream.indirect_vreg.gather [hbm4b:s6+s3], $0x80, v4, vm0, $0xb8;
	[tilespmem:$0x19000] =	vst v63  }
0xd3: {  	_ = 	snop  }
0xd4: {  	[tilespmem:s15], [sflag:$0x1] =	stream.indirect_vreg.gather [hbm4b:s7+s3], $0x80, v4, vm0, $0xb8;
	[tilespmem:$0x19000] =	vst v63  }
0xd5: {  	_ = 	snop  }
0xd6: {  	[tilespmem:s16], [sflag:$0x1] =	stream.indirect_vreg.gather [hbm4b:s2+s3], $0x80, v3, vm0, $0xb8;
	[tilespmem:$0x19000] =	vst v63  }
0xd7: {  	s18 =	simm.s32 $0x7800  }
0xd8: {  	[tilespmem:s18], [sflag:$0x1] =	stream.indirect_vreg.gather [hbm4b:s5+s3], $0x80, v3, vm0, $0xb8;
	[tilespmem:$0x19000] =	vst v63  }
0xd9: {  	s18 =	simm.s32 $0x8000  }
0xda: {  	[tilespmem:s18], [sflag:$0x1] =	stream.indirect_vreg.gather [hbm4b:s6+s3], $0x80, v3, vm0, $0xb8;
	[tilespmem:$0x19000] =	vst v63  }
0xdb: {  	s18 =	simm.s32 $0x8800  }
0xdc: {  	[tilespmem:s18], [sflag:$0x1] =	stream.indirect_vreg.gather [hbm4b:s7+s3], $0x80, v3, vm0, $0xb8;
	[tilespmem:$0x19000] =	vst v63  }
0xdd: {  	_ =	swait.ge [sflag:s22], $0x8000  }
0xde: {  	[sflag:s22] =	ssyncset.done $0x0  }
0xdf: {  	s30 =	sadd.s32 $0x1000, s28;
	[sflag:s22] =	ssyncadd.s32 $0xFFFF8000  }
0xe0: {  	[hbm4b:s30+s3] =	stream.linear.scatter [tilespmem:s29], [sflag:$0x5], $0x8000, $0x38;
	[tilespmem:$0x19000] =	vst v63  }
0xe1: {  	_ =	swait.ge [sflag:s23], $0x8000  }
0xe2: {  	[sflag:s23] =	ssyncset.done $0x0  }
0xe3: {  	[sflag:s23] =	ssyncadd.s32 $0xFFFF8000  }
0xe4: {  	v3 =	vld [tilespmem:s25+$0xFFFFFFF0];
	_ =	sdelay $0x4  }
0xe5: {  	v62 =	vshll.u32 v3, $0x3  }
0xe6: {  	v3 =	vand.u32 $0x7, v3;
	v4 =	vand.u32 $0xFFFFFFC0, v62  }
0xe7: {  	v3 =	vor.u32 v3, v4  }
0xe8: {  	v4 =	vperm.xlane v3, v0;
	_ =	sdelay $0x1  }
0xe9: {  	v4 =	vadd.s32 v1, v4;
	_ =	sdelay $0x4  }
0xea: {  	[tilespmem:s29], [sflag:$0x2] =	stream.indirect_vreg.gather [hbm4b:s2+s3], $0x80, v4, vm0, $0xb8;
	[tilespmem:$0x19000] =	vst v63  }
0xeb: {  	s30 =	simm.s32 $0x9800;
	v3 =	vperm.xlane v3, v2  }
0xec: {  	[tilespmem:s30], [sflag:$0x2] =	stream.indirect_vreg.gather [hbm4b:s5+s3], $0x80, v4, vm0, $0xb8;
	[tilespmem:$0x19000] =	vst v63  }
0xed: {  	s18 =	simm.s32 $0xA000;
	v3 =	vadd.s32 v1, v3  }
0xee: {  	[tilespmem:s18], [sflag:$0x2] =	stream.indirect_vreg.gather [hbm4b:s6+s3], $0x80, v4, vm0, $0xb8;
	[tilespmem:$0x19000] =	vst v63  }
0xef: {  	s18 =	simm.s32 $0xA800  }
0xf0: {  	[tilespmem:s18], [sflag:$0x2] =	stream.indirect_vreg.gather [hbm4b:s7+s3], $0x80, v4, vm0, $0xb8;
	[tilespmem:$0x19000] =	vst v63  }
0xf1: {  	s18 =	simm.s32 $0xB000  }
0xf2: {  	[tilespmem:s18], [sflag:$0x2] =	stream.indirect_vreg.gather [hbm4b:s2+s3], $0x80, v3, vm0, $0xb8;
	[tilespmem:$0x19000] =	vst v63  }
0xf3: {  	s18 =	simm.s32 $0xB800  }
0xf4: {  	[tilespmem:s18], [sflag:$0x2] =	stream.indirect_vreg.gather [hbm4b:s5+s3], $0x80, v3, vm0, $0xb8;
	[tilespmem:$0x19000] =	vst v63  }
0xf5: {  	s18 =	simm.s32 $0xC000  }
0xf6: {  	[tilespmem:s18], [sflag:$0x2] =	stream.indirect_vreg.gather [hbm4b:s6+s3], $0x80, v3, vm0, $0xb8;
	[tilespmem:$0x19000] =	vst v63  }
0xf7: {  	s18 =	simm.s32 $0xC800  }
0xf8: {  	[tilespmem:s18], [sflag:$0x2] =	stream.indirect_vreg.gather [hbm4b:s7+s3], $0x80, v3, vm0, $0xb8;
	[tilespmem:$0x19000] =	vst v63  }
0xf9: {  	v3 =	vld [tilespmem:s25+$0x0];
	_ =	sdelay $0x4  }
0xfa: {  	v63 =	vshll.u32 v3, $0x3  }
0xfb: {  	v3 =	vand.u32 $0x7, v3;
	v4 =	vand.u32 $0xFFFFFFC0, v63  }
0xfc: {  	v3 =	vor.u32 v3, v4  }
0xfd: {  	v4 =	vperm.xlane v3, v0;
	_ =	sdelay $0x1  }
0xfe: {  	v4 =	vadd.s32 v1, v4;
	_ =	sdelay $0x3  }
0xff: {  	s18 =	simm.s32 $0xD000  }
0x100: {  	[tilespmem:s18], [sflag:$0x2] =	stream.indirect_vreg.gather [hbm4b:s2+s3], $0x80, v4, vm0, $0xb8;
	[tilespmem:$0x19000] =	vst v63  }
0x101: {  	v3 =	vperm.xlane v3, v2;
	s18 =	simm.s32 $0xD800  }
0x102: {  	[tilespmem:s18], [sflag:$0x2] =	stream.indirect_vreg.gather [hbm4b:s5+s3], $0x80, v4, vm0, $0xb8;
	[tilespmem:$0x19000] =	vst v63  }
0x103: {  	v3 =	vadd.s32 v1, v3;
	s18 =	simm.s32 $0xE000  }
0x104: {  	[tilespmem:s18], [sflag:$0x2] =	stream.indirect_vreg.gather [hbm4b:s6+s3], $0x80, v4, vm0, $0xb8;
	[tilespmem:$0x19000] =	vst v63  }
0x105: {  	s18 =	simm.s32 $0xE800  }
0x106: {  	[tilespmem:s18], [sflag:$0x2] =	stream.indirect_vreg.gather [hbm4b:s7+s3], $0x80, v4, vm0, $0xb8;
	[tilespmem:$0x19000] =	vst v63  }
0x107: {  	s18 =	simm.s32 $0xF000  }
0x108: {  	[tilespmem:s18], [sflag:$0x2] =	stream.indirect_vreg.gather [hbm4b:s2+s3], $0x80, v3, vm0, $0xb8;
	[tilespmem:$0x19000] =	vst v63  }
0x109: {  	_ = 	snop  }
0x10a: {  	[tilespmem:s31], [sflag:$0x2] =	stream.indirect_vreg.gather [hbm4b:s5+s3], $0x80, v3, vm0, $0xb8;
	[tilespmem:$0x19000] =	vst v63  }
0x10b: {  	s26 =	sadd.s32 $0x3000, s26  }
0x10c: {  	[tilespmem:s0], [sflag:$0x2] =	stream.indirect_vreg.gather [hbm4b:s6+s3], $0x80, v3, vm0, $0xb8;
	[tilespmem:$0x19000] =	vst v63  }
0x10d: {  	p0 =	sne.s32 s26, $0x1E000  }
0x10e: {  	[tilespmem:s17], [sflag:$0x2] =	stream.indirect_vreg.gather [hbm4b:s7+s3], $0x80, v3, vm0, $0xb8;
	[tilespmem:$0x19000] =	vst v63  }
.Ltmp0:
0x10f: {  	_ = 	snop;
	(pc) =	sbr.rel @p0 .LBB2_2-.Ltmp0, $4  }
0x110: {  	_ =	swait.ge [sflag:s24], $0x8000  }
0x111: {  	[sflag:s24] =	ssyncset.done $0x0  }
0x112: {  	s28 =	sadd.s32 $0x2000, s28;
	s25 =	sadd.s32 $0x180, s25;
	[sflag:s24] =	ssyncadd.s32 $0xFFFF8000  }
0x113: {  	[hbm4b:s28+s3] =	stream.linear.scatter [tilespmem:s19], [sflag:$0x6], $0x8000, $0x38;
	[tilespmem:$0x19000] =	vst v63  }
0x114: {  	s0 =	simm.s32 $0x6  }
0x115: {  	_ =	swait.ge [sflag:s0], $0x8000  }
0x116: {  	[sflag:s0] =	ssyncset.done $0x0  }
0x117: {  	[sflag:s0] =	ssyncadd.s32 $0xFFFF8000  }
0x118: {  	_ =	swait.ge [sflag:s20], $0x8000  }
0x119: {  	[sflag:s20] =	ssyncset.done $0x0  }
0x11a: {  	s25 =	rddreg [dreg:$0x15];
	[sflag:s20] =	ssyncadd.s32 $0xFFFF8000  }
0x11b: {  	[hbm4b:s25+s3] =	stream.linear.scatter [tilespmem:s12], [sflag:$0x4], $0x8000, $0x38;
	[tilespmem:$0x19000] =	vst v63  }
0x11c: {  	_ =	swait.ge [sflag:s21], $0x8000  }
0x11d: {  	[sflag:s21] =	ssyncset.done $0x0  }
0x11e: {  	[sflag:s21] =	ssyncadd.s32 $0xFFFF8000  }
0x11f: {  	_ =	swait.ge [sflag:s22], $0x8000  }
0x120: {  	[sflag:s22] =	ssyncset.done $0x0  }
0x121: {  	s18 =	rddreg [dreg:$0x16];
	[sflag:s22] =	ssyncadd.s32 $0xFFFF8000  }
0x122: {  	[hbm4b:s18+s3] =	stream.linear.scatter [tilespmem:s29], [sflag:$0x5], $0x8000, $0x38;
	[tilespmem:$0x19000] =	vst v63  }
0x123: {  	_ =	swait.ge [sflag:s23], $0x8000  }
0x124: {  	s28 =	simm.s32 $0x2000;
	s1 =	simm.s32 $0x2800;
	s25 =	rddreg [dreg:$0x18]  }
0x125: {  	s4 =	simm.s32 $0x3000;
	s26 =	rddreg [dreg:$0x17];
	s0 =	sadd.s32 $0x1, s25  }
0x126: {  	s8 =	simm.s32 $0x3800;
	s9 =	simm.s32 $0x4000;
	p0 =	sne.s32 s0, s26  }
.Ltmp1:
0x127: {  	s10 =	simm.s32 $0x4800;
	s11 =	simm.s32 $0x5000;
	(pc) =	sbr.rel @p0 .LBB2_1-.Ltmp1, $4  }
0x128: {  	s13 =	simm.s32 $0x5800;
	s14 =	simm.s32 $0x6000;
	s15 =	simm.s32 $0x6800  }
0x129: {  	s16 =	simm.s32 $0x7000;
	s17 =	simm.s32 $0x8000;
	[sflag:s23] =	ssyncset.done $0x0  }
0x12a: {  	s31 =	simm.s32 $0xA000;
	s18 =	simm.s32 $0x8800;
	[sflag:s23] =	ssyncadd.s32 $0xFFFF8000  }
0x12b: {  	[dreg:$0x18] =	wrdreg s0;
	s26 =	simm.s32 $0x1800;
	s0 =	simm.s32 $0x7800  }
0x12c: {  	_ =	sfence.sel $0x180000  }
0x12d: {  	[bflag:$0x0] =	sbarrier.arrive $0xFFFF  }
0x12e: {  	_ =	strace $0x90000047  }
0x12f: {  	s0 =	stileid.u32;
	[bflag:$0x2] =	sbarrier.arrive $0xFFFF  }
0x130: {  	p0 =	sne.s32 s0, $0x0;
	s0 =	rddreg [dreg:$0x3]  }
0x131: {  	s0 =	sadd.s32 @!p0 $0x100000, s0  }
0x132: {  	[sflag:s0] =	ssyncadd.tile.s32 @!p0 $0x1;
	_ =	shalt  }
.Lfunc_end2:
_tile_overlayer_lowered:
.L_overlay_start_2:
0x133: {  	(tag) =	ssettag $0x2  }
0x134: {  	s0 =	rddreg [dreg:$0x0];
	s2 =	stileid.u32  }
0x135: {  	s1 =	rddreg [dreg:$0x1];
	p0 =	sne.s32 s2, $0x0  }
0x136: {  	s3 =	rddreg [dreg:$0x2];
	[bflag:$0x3] =	sbarrier.arrive $0xFFFF;
	s2 =	simm.s32 @!p0 $0x1C07  }
0x137: {  	[timem:s3], [sflag:s2] =	dma.local @!p0 [hbm:s0], s1  }
0x138: {  	s0 =	simm.s32 @!p0 $0x7  }
0x139: {  	_ =	swait.ge @!p0 [sflag:s0], s1  }
0x13a: {  	s1 =	ssub.s32 @!p0 $0x0, s1;
	[sflag:s0] =	ssyncset.done @!p0 $0x0  }
0x13b: {  	[sflag:s0] =	ssyncadd.s32 @!p0 s1  }
0x13c: {  	[bflag:$0x3] =	sbarrier.arrive $0xFFFF  }
0x13d: {  	_ =	shalt  }

</sc_bundles>
